<compile_context>
chip_gen: v7x
topology: tpu7x:2x2x1
jax: 0.10.2.dev20260603
libtpu: 0.0.44.dev20260713+nightly
codegen_flags: <defaults>
</compile_context>

<pallas_src>
import functools

import jax
import jax.numpy as jnp
from jax import lax
from jax.experimental import pallas as pl
from jax.experimental.pallas import tpu as pltpu
from jax.experimental.pallas import tpu_sc as plsc

N = 10000
D = 128
K = 64
E = 320000
TEMP = 0.5
LAMDA = 0.01

CHUNK = 80
NCORES = 2
NSUB = 16
NWORK = NCORES * NSUB
NCH = (E // NWORK) // CHUNK
ZROWS = N // NSUB
SROWS = N // NSUB
DEGW = 16
NBUF = 5

RB = 1000
GRID = N // RB

_HI = lax.Precision.HIGHEST


def _dot(a, b, dims, precision=None):
    return lax.dot_general(a, b, (dims, ((), ())),
                           preferred_element_type=jnp.float32,
                           precision=precision)



_sc_mesh = plsc.VectorSubcoreMesh(core_axis_name="c", subcore_axis_name="s")


@functools.partial(
    pl.kernel,
    out_type=[jax.ShapeDtypeStruct((NCORES, N, K), jnp.float32),
              jax.ShapeDtypeStruct((NCORES, N, DEGW), jnp.float32)],
    mesh=_sc_mesh,
    compiler_params=pltpu.CompilerParams(use_tc_tiling_on_sc=False),
    scratch_types=[
        pltpu.VMEM((NCH, CHUNK), jnp.int32),
        pltpu.VMEM((NCH, CHUNK), jnp.int32),
        [pltpu.VMEM((CHUNK, K), jnp.float32) for _ in range(NBUF)],
        pltpu.VMEM((CHUNK, DEGW), jnp.float32),
        pltpu.VMEM_SHARED((N, K), jnp.float32),
        pltpu.VMEM_SHARED((N, DEGW), jnp.float32),
        [pltpu.SemaphoreType.DMA for _ in range(NBUF)],
        [pltpu.SemaphoreType.DMA for _ in range(NBUF)],
        pltpu.SemaphoreType.DMA,
    ],
)
def _sc_apply_deg(hp, ei, zf, zd, ones, outf, outd,
                  srcv, dstv, rows, onesv, featS, degS, gsem, ssem, dsem):
    c = lax.axis_index("c")
    s = lax.axis_index("s")
    wid = c * NSUB + s
    row0 = s * SROWS
    pltpu.sync_copy(zf, featS.at[pl.ds(s * ZROWS, ZROWS)])
    pltpu.sync_copy(zd, degS.at[pl.ds(s * ZROWS, ZROWS)])
    pltpu.sync_copy(ei.at[0, wid], srcv)
    pltpu.sync_copy(ei.at[1, wid], dstv)
    pltpu.sync_copy(ones, onesv)
    plsc.subcore_barrier()

    for b in range(NBUF):
        pltpu.async_copy(hp.at[srcv.at[b]], rows[b], gsem[b])

    def step(g, carry):
        j0 = NBUF * g
        for b in range(NBUF):
            pltpu.make_async_copy(hp.at[srcv.at[j0 + b]], rows[b], gsem[b]).wait()
            pltpu.async_copy(rows[b], featS.at[dstv.at[j0 + b]], ssem[b], add=True)
            pltpu.async_copy(onesv, degS.at[dstv.at[j0 + b]], dsem, add=True)
        for b in range(NBUF):
            pltpu.make_async_copy(rows[b], featS.at[dstv.at[j0 + b]], ssem[b]).wait()
            pltpu.make_async_copy(onesv, degS.at[dstv.at[j0 + b]], dsem).wait()

            @pl.when(j0 + NBUF + b < NCH)
            def _():
                pltpu.async_copy(hp.at[srcv.at[j0 + NBUF + b]], rows[b], gsem[b])
        return carry

    lax.fori_loop(0, NCH // NBUF, step, 0)
    plsc.subcore_barrier()
    pltpu.sync_copy(featS.at[pl.ds(row0, SROWS)],
                    outf.at[c, pl.ds(row0, SROWS)])
    pltpu.sync_copy(degS.at[pl.ds(row0, SROWS)],
                    outd.at[c, pl.ds(row0, SROWS)])


@functools.partial(
    pl.kernel,
    out_type=[jax.ShapeDtypeStruct((NCORES, N, K), jnp.float32)],
    mesh=_sc_mesh,
    compiler_params=pltpu.CompilerParams(use_tc_tiling_on_sc=False),
    scratch_types=[
        pltpu.VMEM((NCH, CHUNK), jnp.int32),
        pltpu.VMEM((NCH, CHUNK), jnp.int32),
        [pltpu.VMEM((CHUNK, K), jnp.float32) for _ in range(NBUF)],
        pltpu.VMEM_SHARED((N, K), jnp.float32),
        [pltpu.SemaphoreType.DMA for _ in range(NBUF)],
        [pltpu.SemaphoreType.DMA for _ in range(NBUF)],
    ],
)
def _sc_apply(hp, ei, zf, outf, srcv, dstv, rows, featS, gsem, ssem):
    c = lax.axis_index("c")
    s = lax.axis_index("s")
    wid = c * NSUB + s
    row0 = s * SROWS
    pltpu.sync_copy(zf, featS.at[pl.ds(s * ZROWS, ZROWS)])
    pltpu.sync_copy(ei.at[0, wid], srcv)
    pltpu.sync_copy(ei.at[1, wid], dstv)
    plsc.subcore_barrier()

    for b in range(NBUF):
        pltpu.async_copy(hp.at[srcv.at[b]], rows[b], gsem[b])

    def step(g, carry):
        j0 = NBUF * g
        for b in range(NBUF):
            pltpu.make_async_copy(hp.at[srcv.at[j0 + b]], rows[b], gsem[b]).wait()
            pltpu.async_copy(rows[b], featS.at[dstv.at[j0 + b]], ssem[b], add=True)
        for b in range(NBUF):
            pltpu.make_async_copy(rows[b], featS.at[dstv.at[j0 + b]], ssem[b]).wait()

            @pl.when(j0 + NBUF + b < NCH)
            def _():
                pltpu.async_copy(hp.at[srcv.at[j0 + NBUF + b]], rows[b], gsem[b])
        return carry

    lax.fori_loop(0, NCH // NBUF, step, 0)
    plsc.subcore_barrier()
    pltpu.sync_copy(featS.at[pl.ds(row0, SROWS)],
                    outf.at[c, pl.ds(row0, SROWS)])



def _mm1_body(x_ref, w_ref, b_ref, o_ref):
    o_ref[...] = _dot(x_ref[...], w_ref[...], ((1,), (0,))) + b_ref[...]


_mm1 = pl.pallas_call(
    _mm1_body,
    grid=(GRID,),
    in_specs=[pl.BlockSpec((RB, D), lambda i: (i, 0)),
              pl.BlockSpec((D, K), lambda i: (0, 0)),
              pl.BlockSpec((1, K), lambda i: (0, 0))],
    out_specs=pl.BlockSpec((RB, K), lambda i: (i, 0)),
    out_shape=jax.ShapeDtypeStruct((N, K), jnp.float32),
)


def _mid_body(f0_ref, f1_ref, d0_ref, d1_ref, w_ref, b_ref, o_ref):
    deg = jnp.maximum(d0_ref[0][:, 0:1] + d1_ref[0][:, 0:1], 1.0)
    h = jnp.maximum((f0_ref[0] + f1_ref[0]) / deg, 0.0)
    o_ref[...] = _dot(h, w_ref[...], ((1,), (0,))) + b_ref[...]


_mid = pl.pallas_call(
    _mid_body,
    grid=(GRID,),
    in_specs=[pl.BlockSpec((1, RB, K), lambda i: (0, i, 0)),
              pl.BlockSpec((1, RB, K), lambda i: (1, i, 0)),
              pl.BlockSpec((1, RB, DEGW), lambda i: (0, i, 0)),
              pl.BlockSpec((1, RB, DEGW), lambda i: (1, i, 0)),
              pl.BlockSpec((K, K), lambda i: (0, 0)),
              pl.BlockSpec((1, K), lambda i: (0, 0))],
    out_specs=pl.BlockSpec((RB, K), lambda i: (i, 0)),
    out_shape=jax.ShapeDtypeStruct((N, K), jnp.float32),
)


def _final_body(f0_ref, f1_ref, d0_ref, d1_ref, emb_ref, eye_ref,
                gamma_ref, cidx_ref, loss_ref, miu_ref,
                gbuf, ebuf, gsum_s, miun_s, tsum_s, tmiun_s):
    i = pl.program_id(0)

    @pl.when(i < GRID)
    def _():
        deg = jnp.maximum(d0_ref[0][:, 0:1] + d1_ref[0][:, 0:1], 1.0)
        x = (f0_ref[0] + f1_ref[0]) / deg
        m = jnp.max(x, axis=-1, keepdims=True)
        e = jnp.exp(x - m)
        gamma = e / jnp.sum(e, axis=-1, keepdims=True)
        gamma_ref[...] = gamma
        gbuf[pl.ds(i * RB, RB), :] = gamma
        ebuf[pl.ds(i * RB, RB), :] = emb_ref[...]
        cols = lax.broadcasted_iota(jnp.int32, (RB, K), 1)
        cidx_ref[...] = jnp.min(jnp.where(x >= m, cols, K), axis=-1,
                                keepdims=True)
        gs = jnp.sum(gamma, axis=0, keepdims=True)
        mn = _dot(gamma, emb_ref[...], ((0,), (0,)))

        @pl.when(i == 0)
        def _():
            gsum_s[...] = gs
            miun_s[...] = mn

        @pl.when(i > 0)
        def _():
            gsum_s[...] += gs
            miun_s[...] += mn

    @pl.when((i >= GRID) & (i < 2 * GRID))
    def _():
        g = gbuf[pl.ds((i - GRID) * RB, RB), :]
        em = ebuf[pl.ds((i - GRID) * RB, RB), :]
        y = g * g / gsum_s[...]
        m = jnp.max(y, axis=-1, keepdims=True)
        e = jnp.exp(y - m)
        tg = e / jnp.sum(e, axis=-1, keepdims=True)
        ts = jnp.sum(tg, axis=0, keepdims=True)
        tm = _dot(tg, em, ((0,), (0,)))

        @pl.when(i == GRID)
        def _():
            tsum_s[...] = ts
            tmiun_s[...] = tm

        @pl.when(i > GRID)
        def _():
            tsum_s[...] += ts
            tmiun_s[...] += tm

    @pl.when(i == 2 * GRID)
    def _():
        gs = gsum_s[...]
        eye = eye_ref[...]
        gcol = _dot(eye, gs, ((1,), (1,)), precision=_HI)
        tcol = _dot(eye, tsum_s[...], ((1,), (1,)), precision=_HI)
        miu = miun_s[...] / gcol
        tmiu = tmiun_s[...] / tcol
        miu_ref[...] = miu
        na = jnp.maximum(jnp.sqrt(jnp.sum(miu * miu, axis=-1, keepdims=True)),
                         1e-8)
        nb = jnp.maximum(jnp.sqrt(jnp.sum(tmiu * tmiu, axis=-1, keepdims=True)),
                         1e-8)
        a = miu / na
        b = tmiu / nb
        sim = _dot(a, b, ((1,), (1,))) / TEMP
        rm = jnp.max(sim, axis=-1, keepdims=True)
        lse_r = jnp.log(jnp.sum(jnp.exp(sim - rm), axis=-1, keepdims=True)) + rm
        cm = jnp.max(sim, axis=0, keepdims=True)
        lse_c = jnp.log(jnp.sum(jnp.exp(sim - cm), axis=0, keepdims=True)) + cm
        diag_ab = jnp.sum((sim - lse_r) * eye) / K
        diag_ba = jnp.sum((sim - lse_c) * eye) / K
        cl = -0.5 * (diag_ab + diag_ba)
        reg = jnp.mean(gs * gs) * LAMDA
        loss_ref[...] = jnp.broadcast_to(cl + reg, (1, 1))


def _cap(i):
    return jnp.minimum(i, GRID - 1)


_final = pl.pallas_call(
    _final_body,
    grid=(2 * GRID + 1,),
    in_specs=[pl.BlockSpec((1, RB, K), lambda i: (0, _cap(i), 0)),
              pl.BlockSpec((1, RB, K), lambda i: (1, _cap(i), 0)),
              pl.BlockSpec((1, RB, DEGW), lambda i: (0, _cap(i), 0)),
              pl.BlockSpec((1, RB, DEGW), lambda i: (1, _cap(i), 0)),
              pl.BlockSpec((RB, D), lambda i: (_cap(i), 0)),
              pl.BlockSpec((K, K), lambda i: (0, 0))],
    out_specs=[pl.BlockSpec((RB, K), lambda i: (_cap(i), 0)),
               pl.BlockSpec((RB, 1), lambda i: (_cap(i), 0)),
               pl.BlockSpec((1, 1), lambda i: (0, 0)),
               pl.BlockSpec((K, D), lambda i: (0, 0))],
    out_shape=[jax.ShapeDtypeStruct((N, K), jnp.float32),
               jax.ShapeDtypeStruct((N, 1), jnp.int32),
               jax.ShapeDtypeStruct((1, 1), jnp.float32),
               jax.ShapeDtypeStruct((K, D), jnp.float32)],
    scratch_shapes=[pltpu.VMEM((N, K), jnp.float32),
                    pltpu.VMEM((N, D), jnp.float32),
                    pltpu.VMEM((1, K), jnp.float32),
                    pltpu.VMEM((K, D), jnp.float32),
                    pltpu.VMEM((1, K), jnp.float32),
                    pltpu.VMEM((K, D), jnp.float32)],
)



def kernel(embeds, edge_index, W0, b0, W1, b1):
    ei = edge_index.reshape(2, NWORK, NCH, CHUNK)
    zf = jnp.zeros((ZROWS, K), jnp.float32)
    zd = jnp.zeros((ZROWS, DEGW), jnp.float32)
    ones = jnp.ones((CHUNK, DEGW), jnp.float32)
    eye = jnp.eye(K, dtype=jnp.float32)

    hp1 = _mm1(embeds, W0, b0.reshape(1, K))
    aggf1, aggd = _sc_apply_deg(hp1, ei, zf, zd, ones)
    hp2 = _mid(aggf1, aggf1, aggd, aggd, W1, b1.reshape(1, K))
    (aggf2,) = _sc_apply(hp2, ei, zf)
    gamma, cidx, loss11, miu = _final(aggf2, aggf2, aggd, aggd, embeds, eye)
    return (loss11[0, 0], gamma, cidx.reshape(N), miu)

# --- scband reference (transcript-rebuilt; emitter-appended) ---
"""Pipeline reference for scband-contrastive-clustering-56092272886408 (READ-ONLY COPY).

The authoritative reference and input builder live on the scoring server;
editing this copy changes nothing except your own understanding.
"""

import jax, jax.numpy as jnp
import numpy as np

N = 10000
E = 320000
D = 128
K = 64
TEMP = 0.5
LAMDA = 0.01


def setup_inputs(seed: int = 0) -> dict:
    key = jax.random.key(seed)
    k1, k2, k3, k4 = jax.random.split(key, 4)
    embeds = jax.random.normal(k1, (N, D), dtype=jnp.float32)
    edge_index = jax.random.randint(k2, (2, E), 0, N, dtype=jnp.int32)
    W0 = jax.random.normal(k3, (D, K), dtype=jnp.float32) * (1.0 / np.sqrt(D))
    b0 = jnp.zeros((K,), dtype=jnp.float32)
    W1 = jax.random.normal(k4, (K, K), dtype=jnp.float32) * (1.0 / np.sqrt(K))
    b1 = jnp.zeros((K,), dtype=jnp.float32)
    return {"embeds": embeds, "edge_index": edge_index, "W0": W0, "b0": b0, "W1": W1, "b1": b1}


def _gcn_layer(x, W, b, src, dst):
    h = x @ W + b
    msg = jnp.take(h, src, axis=0)
    agg = jax.ops.segment_sum(msg, dst, num_segments=N)
    deg = jax.ops.segment_sum(jnp.ones((src.shape[0],), dtype=x.dtype), dst, num_segments=N)
    return agg / jnp.clip(deg, 1.0, None)[:, None]


def reference(embeds, edge_index, W0, b0, W1, b1):
    src, dst = edge_index[0], edge_index[1]
    # GNN estimation: 2-layer GCN with mean aggregation, hidden_dim = num_clusters
    h = _gcn_layer(embeds, W0, b0, src, dst)
    h = jax.nn.relu(h)
    x = _gcn_layer(h, W1, b1, src, dst)
    gamma = jax.nn.softmax(x, axis=-1)                      # [N, K]
    cluster_indices = jnp.argmax(gamma, axis=-1)            # [N]
    gsum = jnp.sum(gamma, axis=0)                           # [K]
    target_gamma = jax.nn.softmax(gamma ** 2 / gsum, axis=-1)
    # miu = sum_n embeds[n] outer gamma[n] / sum_n gamma[n]  -> gamma^T @ embeds
    miu = (gamma.T @ embeds) / gsum[:, None]                # [K, D]
    tsum = jnp.sum(target_gamma, axis=0)
    target_miu = (target_gamma.T @ embeds) / tsum[:, None]  # [K, D]
    # ClusterContrastive: symmetric InfoNCE between cluster centers of the two views
    a = miu / jnp.clip(jnp.linalg.norm(miu, axis=-1, keepdims=True), 1e-8, None)
    bb = target_miu / jnp.clip(jnp.linalg.norm(target_miu, axis=-1, keepdims=True), 1e-8, None)
    sim = (a @ bb.T) / TEMP                                 # [K, K]
    lbl = jnp.arange(K)
    logp_ab = jax.nn.log_softmax(sim, axis=-1)
    logp_ba = jax.nn.log_softmax(sim.T, axis=-1)
    cl_loss = -0.5 * (jnp.mean(logp_ab[lbl, lbl]) + jnp.mean(logp_ba[lbl, lbl]))
    regularization = jnp.mean(gsum ** 2) * LAMDA
    loss = cl_loss + regularization
    return (loss, jax.lax.stop_gradient(gamma), cluster_indices, miu)

if __name__ == "__main__":
    import jax
    _d = setup_inputs()
    print(jax.jit(kernel)(*tuple(_d.values())))

</pallas_src>

<mosaic_0001>
#map = affine_map<(d0, d1) -> (0, 0)>
#map1 = affine_map<(d0, d1) -> (0, 0, 0, 0)>
#map2 = affine_map<(d0, d1) -> (0, 0, 0)>
module attributes {stable_mosaic.version = 14 : i64} {
  func.func @_sc_apply(%arg0: i32, %arg1: i32, %arg2: memref<10000x64xf32, #tpu.memory_space<hbm>>, %arg3: memref<2x32x125x80xi32, #tpu.memory_space<hbm>>, %arg4: memref<625x64xf32, #tpu.memory_space<hbm>>, %arg5: memref<2x10000x64xf32, #tpu.memory_space<hbm>>, %arg6: memref<125x80xi32, #tpu.memory_space<vmem>>, %arg7: memref<125x80xi32, #tpu.memory_space<vmem>>, %arg8: memref<80x64xf32, #tpu.memory_space<vmem>>, %arg9: memref<80x64xf32, #tpu.memory_space<vmem>>, %arg10: memref<80x64xf32, #tpu.memory_space<vmem>>, %arg11: memref<80x64xf32, #tpu.memory_space<vmem>>, %arg12: memref<80x64xf32, #tpu.memory_space<vmem>>, %arg13: memref<10000x64xf32, #tpu.memory_space<vmem_shared>>, %arg14: memref<!tpu.dma_semaphore, #tpu.memory_space<semaphore_mem>>, %arg15: memref<!tpu.dma_semaphore, #tpu.memory_space<semaphore_mem>>, %arg16: memref<!tpu.dma_semaphore, #tpu.memory_space<semaphore_mem>>, %arg17: memref<!tpu.dma_semaphore, #tpu.memory_space<semaphore_mem>>, %arg18: memref<!tpu.dma_semaphore, #tpu.memory_space<semaphore_mem>>, %arg19: memref<!tpu.dma_semaphore, #tpu.memory_space<semaphore_mem>>, %arg20: memref<!tpu.dma_semaphore, #tpu.memory_space<semaphore_mem>>, %arg21: memref<!tpu.dma_semaphore, #tpu.memory_space<semaphore_mem>>, %arg22: memref<!tpu.dma_semaphore, #tpu.memory_space<semaphore_mem>>, %arg23: memref<!tpu.dma_semaphore, #tpu.memory_space<semaphore_mem>>) attributes {dimension_semantics = [#tpu.dimension_semantics<core_parallel>, #tpu.dimension_semantics<subcore_parallel>], iteration_bounds = array<i64: 2, 16>, scalar_prefetch = 0 : i64, scratch_operands = 18 : i64, tpu.core_type = #tpu.core_type<sc_vector_subcore>, window_params = [{transform_indices = #map}, {transform_indices = #map1}, {transform_indices = #map}, {transform_indices = #map2}]} {
    %mul3A = arith.constant 16 : i32
    %mul3A_0 = arith.muli %arg0, %mul3A : i32
    %add3A = arith.addi %mul3A_0, %arg1 : i32
    %mul3A_1 = arith.constant 625 : i32
    %mul3A_2 = arith.muli %arg1, %mul3A_1 : i32
    %mul3A_3 = arith.constant 625 : i32
    %mul3A_4 = arith.muli %arg1, %mul3A_3 : i32
    "tpu.region"() ({
      %run_scoped3A_46 = tpu.sem_alloc : memref<!tpu.dma_semaphore, #tpu.memory_space<semaphore_mem>>
      %dma_start3A_47 = arith.constant 0 : i32
      %dma_start3A_48 = tpu.memref_slice %arg13[%mul3A_4, %dma_start3A_47] : memref<10000x64xf32, #tpu.memory_space<vmem_shared>> -> memref<625x64xf32, #tpu.memory_space<vmem_shared>>
      tpu.enqueue_dma source(%arg4 : memref<625x64xf32, #tpu.memory_space<hbm>>) target(%dma_start3A_48 : memref<625x64xf32, #tpu.memory_space<vmem_shared>>) target_semaphore(%run_scoped3A_46 : memref<!tpu.dma_semaphore, #tpu.memory_space<semaphore_mem>>)
      %dma_wait3A = arith.constant 0 : i32
      %dma_wait3A_49 = tpu.memref_slice %arg13[%mul3A_4, %dma_wait3A] : memref<10000x64xf32, #tpu.memory_space<vmem_shared>> -> memref<625x64xf32, #tpu.memory_space<vmem_shared>>
      tpu.wait_dma2 semaphore(%run_scoped3A_46 : memref<!tpu.dma_semaphore, #tpu.memory_space<semaphore_mem>>) src(%arg4 : memref<625x64xf32, #tpu.memory_space<hbm>>) dst(%dma_wait3A_49 : memref<625x64xf32, #tpu.memory_space<vmem_shared>>)
      tpu.yield
    }) : () -> ()
    %run_scoped3A = arith.constant 0 : i32
    "tpu.region"() ({
      %run_scoped3A_46 = tpu.sem_alloc : memref<!tpu.dma_semaphore, #tpu.memory_space<semaphore_mem>>
      %dma_start3A_47 = arith.constant 0 : i32
      %dma_start3A_48 = arith.constant 0 : i32
      %dma_start3A_49 = tpu.memref_slice %arg3[%run_scoped3A, %add3A, %dma_start3A_47, %dma_start3A_48] : memref<2x32x125x80xi32, #tpu.memory_space<hbm>> -> memref<1x1x125x80xi32, #tpu.memory_space<hbm>>
      %dma_start3A_50 = tpu.memref_squeeze %dma_start3A_49 : memref<1x1x125x80xi32, #tpu.memory_space<hbm>> -> memref<125x80xi32, #tpu.memory_space<hbm>>
      %dma_start3A_51 = arith.constant 0 : i32
      %dma_start3A_52 = arith.constant 0 : i32
      %dma_start3A_53 = tpu.memref_slice %arg3[%run_scoped3A, %add3A, %dma_start3A_51, %dma_start3A_52] : memref<2x32x125x80xi32, #tpu.memory_space<hbm>> -> memref<1x1x125x80xi32, #tpu.memory_space<hbm>>
      %dma_start3A_54 = tpu.memref_squeeze %dma_start3A_53 : memref<1x1x125x80xi32, #tpu.memory_space<hbm>> -> memref<125x80xi32, #tpu.memory_space<hbm>>
      tpu.enqueue_dma source(%dma_start3A_54 : memref<125x80xi32, #tpu.memory_space<hbm>>) target(%arg6 : memref<125x80xi32, #tpu.memory_space<vmem>>) target_semaphore(%run_scoped3A_46 : memref<!tpu.dma_semaphore, #tpu.memory_space<semaphore_mem>>)
      %dma_wait3A = arith.constant 0 : i32
      %dma_wait3A_55 = arith.constant 0 : i32
      %dma_wait3A_56 = tpu.memref_slice %arg3[%run_scoped3A, %add3A, %dma_wait3A, %dma_wait3A_55] : memref<2x32x125x80xi32, #tpu.memory_space<hbm>> -> memref<1x1x125x80xi32, #tpu.memory_space<hbm>>
      %dma_wait3A_57 = tpu.memref_squeeze %dma_wait3A_56 : memref<1x1x125x80xi32, #tpu.memory_space<hbm>> -> memref<125x80xi32, #tpu.memory_space<hbm>>
      %dma_wait3A_58 = arith.constant 0 : i32
      %dma_wait3A_59 = arith.constant 0 : i32
      %dma_wait3A_60 = tpu.memref_slice %arg3[%run_scoped3A, %add3A, %dma_wait3A_58, %dma_wait3A_59] : memref<2x32x125x80xi32, #tpu.memory_space<hbm>> -> memref<1x1x125x80xi32, #tpu.memory_space<hbm>>
      %dma_wait3A_61 = tpu.memref_squeeze %dma_wait3A_60 : memref<1x1x125x80xi32, #tpu.memory_space<hbm>> -> memref<125x80xi32, #tpu.memory_space<hbm>>
      tpu.wait_dma2 semaphore(%run_scoped3A_46 : memref<!tpu.dma_semaphore, #tpu.memory_space<semaphore_mem>>) src(%dma_wait3A_61 : memref<125x80xi32, #tpu.memory_space<hbm>>) dst(%arg6 : memref<125x80xi32, #tpu.memory_space<vmem>>)
      tpu.yield
    }) : () -> ()
    %run_scoped3A_5 = arith.constant 1 : i32
    "tpu.region"() ({
      %run_scoped3A_46 = tpu.sem_alloc : memref<!tpu.dma_semaphore, #tpu.memory_space<semaphore_mem>>
      %dma_start3A_47 = arith.constant 0 : i32
      %dma_start3A_48 = arith.constant 0 : i32
      %dma_start3A_49 = tpu.memref_slice %arg3[%run_scoped3A_5, %add3A, %dma_start3A_47, %dma_start3A_48] : memref<2x32x125x80xi32, #tpu.memory_space<hbm>> -> memref<1x1x125x80xi32, #tpu.memory_space<hbm>>
      %dma_start3A_50 = tpu.memref_squeeze %dma_start3A_49 : memref<1x1x125x80xi32, #tpu.memory_space<hbm>> -> memref<125x80xi32, #tpu.memory_space<hbm>>
      %dma_start3A_51 = arith.constant 0 : i32
      %dma_start3A_52 = arith.constant 0 : i32
      %dma_start3A_53 = tpu.memref_slice %arg3[%run_scoped3A_5, %add3A, %dma_start3A_51, %dma_start3A_52] : memref<2x32x125x80xi32, #tpu.memory_space<hbm>> -> memref<1x1x125x80xi32, #tpu.memory_space<hbm>>
      %dma_start3A_54 = tpu.memref_squeeze %dma_start3A_53 : memref<1x1x125x80xi32, #tpu.memory_space<hbm>> -> memref<125x80xi32, #tpu.memory_space<hbm>>
      tpu.enqueue_dma source(%dma_start3A_54 : memref<125x80xi32, #tpu.memory_space<hbm>>) target(%arg7 : memref<125x80xi32, #tpu.memory_space<vmem>>) target_semaphore(%run_scoped3A_46 : memref<!tpu.dma_semaphore, #tpu.memory_space<semaphore_mem>>)
      %dma_wait3A = arith.constant 0 : i32
      %dma_wait3A_55 = arith.constant 0 : i32
      %dma_wait3A_56 = tpu.memref_slice %arg3[%run_scoped3A_5, %add3A, %dma_wait3A, %dma_wait3A_55] : memref<2x32x125x80xi32, #tpu.memory_space<hbm>> -> memref<1x1x125x80xi32, #tpu.memory_space<hbm>>
      %dma_wait3A_57 = tpu.memref_squeeze %dma_wait3A_56 : memref<1x1x125x80xi32, #tpu.memory_space<hbm>> -> memref<125x80xi32, #tpu.memory_space<hbm>>
      %dma_wait3A_58 = arith.constant 0 : i32
      %dma_wait3A_59 = arith.constant 0 : i32
      %dma_wait3A_60 = tpu.memref_slice %arg3[%run_scoped3A_5, %add3A, %dma_wait3A_58, %dma_wait3A_59] : memref<2x32x125x80xi32, #tpu.memory_space<hbm>> -> memref<1x1x125x80xi32, #tpu.memory_space<hbm>>
      %dma_wait3A_61 = tpu.memref_squeeze %dma_wait3A_60 : memref<1x1x125x80xi32, #tpu.memory_space<hbm>> -> memref<125x80xi32, #tpu.memory_space<hbm>>
      tpu.wait_dma2 semaphore(%run_scoped3A_46 : memref<!tpu.dma_semaphore, #tpu.memory_space<semaphore_mem>>) src(%dma_wait3A_61 : memref<125x80xi32, #tpu.memory_space<hbm>>) dst(%arg7 : memref<125x80xi32, #tpu.memory_space<vmem>>)
      tpu.yield
    }) : () -> ()
    %barrier3A = arith.constant 0 : index
    tpu.barrier barrier_id(%barrier3A)
    %dma_start3A = arith.constant 0 : i32
    %dma_start3A_6 = arith.constant 0 : i32
    %dma_start3A_7 = tpu.memref_slice %arg6[%dma_start3A, %dma_start3A_6] : memref<125x80xi32, #tpu.memory_space<vmem>> -> memref<1x80xi32, #tpu.memory_space<vmem>>
    %dma_start3A_8 = tpu.memref_squeeze %dma_start3A_7 : memref<1x80xi32, #tpu.memory_space<vmem>> -> memref<80xi32, #tpu.memory_space<vmem>>
    %dma_start3A_9 = arith.constant 0 : i32
    %dma_start3A_10 = arith.constant 0 : i32
    %dma_start3A_11 = tpu.memref_slice %arg2[%dma_start3A_9, %dma_start3A_10] : memref<10000x64xf32, #tpu.memory_space<hbm>> -> memref<10000x64xf32, #tpu.memory_space<hbm>>
    tpu.enqueue_indirect_dma source(%dma_start3A_11 : memref<10000x64xf32, #tpu.memory_space<hbm>>) target(%arg8 : memref<80x64xf32, #tpu.memory_space<vmem>>) offsets(%dma_start3A_8 : memref<80xi32, #tpu.memory_space<vmem>>) semaphore(%arg14 : memref<!tpu.dma_semaphore, #tpu.memory_space<semaphore_mem>>)
    %dma_start3A_12 = arith.constant 1 : i32
    %dma_start3A_13 = arith.constant 0 : i32
    %dma_start3A_14 = tpu.memref_slice %arg6[%dma_start3A_12, %dma_start3A_13] : memref<125x80xi32, #tpu.memory_space<vmem>> -> memref<1x80xi32, #tpu.memory_space<vmem>>
    %dma_start3A_15 = tpu.memref_squeeze %dma_start3A_14 : memref<1x80xi32, #tpu.memory_space<vmem>> -> memref<80xi32, #tpu.memory_space<vmem>>
    %dma_start3A_16 = arith.constant 0 : i32
    %dma_start3A_17 = arith.constant 0 : i32
    %dma_start3A_18 = tpu.memref_slice %arg2[%dma_start3A_16, %dma_start3A_17] : memref<10000x64xf32, #tpu.memory_space<hbm>> -> memref<10000x64xf32, #tpu.memory_space<hbm>>
    tpu.enqueue_indirect_dma source(%dma_start3A_18 : memref<10000x64xf32, #tpu.memory_space<hbm>>) target(%arg9 : memref<80x64xf32, #tpu.memory_space<vmem>>) offsets(%dma_start3A_15 : memref<80xi32, #tpu.memory_space<vmem>>) semaphore(%arg15 : memref<!tpu.dma_semaphore, #tpu.memory_space<semaphore_mem>>)
    %dma_start3A_19 = arith.constant 2 : i32
    %dma_start3A_20 = arith.constant 0 : i32
    %dma_start3A_21 = tpu.memref_slice %arg6[%dma_start3A_19, %dma_start3A_20] : memref<125x80xi32, #tpu.memory_space<vmem>> -> memref<1x80xi32, #tpu.memory_space<vmem>>
    %dma_start3A_22 = tpu.memref_squeeze %dma_start3A_21 : memref<1x80xi32, #tpu.memory_space<vmem>> -> memref<80xi32, #tpu.memory_space<vmem>>
    %dma_start3A_23 = arith.constant 0 : i32
    %dma_start3A_24 = arith.constant 0 : i32
    %dma_start3A_25 = tpu.memref_slice %arg2[%dma_start3A_23, %dma_start3A_24] : memref<10000x64xf32, #tpu.memory_space<hbm>> -> memref<10000x64xf32, #tpu.memory_space<hbm>>
    tpu.enqueue_indirect_dma source(%dma_start3A_25 : memref<10000x64xf32, #tpu.memory_space<hbm>>) target(%arg10 : memref<80x64xf32, #tpu.memory_space<vmem>>) offsets(%dma_start3A_22 : memref<80xi32, #tpu.memory_space<vmem>>) semaphore(%arg16 : memref<!tpu.dma_semaphore, #tpu.memory_space<semaphore_mem>>)
    %dma_start3A_26 = arith.constant 3 : i32
    %dma_start3A_27 = arith.constant 0 : i32
    %dma_start3A_28 = tpu.memref_slice %arg6[%dma_start3A_26, %dma_start3A_27] : memref<125x80xi32, #tpu.memory_space<vmem>> -> memref<1x80xi32, #tpu.memory_space<vmem>>
    %dma_start3A_29 = tpu.memref_squeeze %dma_start3A_28 : memref<1x80xi32, #tpu.memory_space<vmem>> -> memref<80xi32, #tpu.memory_space<vmem>>
    %dma_start3A_30 = arith.constant 0 : i32
    %dma_start3A_31 = arith.constant 0 : i32
    %dma_start3A_32 = tpu.memref_slice %arg2[%dma_start3A_30, %dma_start3A_31] : memref<10000x64xf32, #tpu.memory_space<hbm>> -> memref<10000x64xf32, #tpu.memory_space<hbm>>
    tpu.enqueue_indirect_dma source(%dma_start3A_32 : memref<10000x64xf32, #tpu.memory_space<hbm>>) target(%arg11 : memref<80x64xf32, #tpu.memory_space<vmem>>) offsets(%dma_start3A_29 : memref<80xi32, #tpu.memory_space<vmem>>) semaphore(%arg17 : memref<!tpu.dma_semaphore, #tpu.memory_space<semaphore_mem>>)
    %dma_start3A_33 = arith.constant 4 : i32
    %dma_start3A_34 = arith.constant 0 : i32
    %dma_start3A_35 = tpu.memref_slice %arg6[%dma_start3A_33, %dma_start3A_34] : memref<125x80xi32, #tpu.memory_space<vmem>> -> memref<1x80xi32, #tpu.memory_space<vmem>>
    %dma_start3A_36 = tpu.memref_squeeze %dma_start3A_35 : memref<1x80xi32, #tpu.memory_space<vmem>> -> memref<80xi32, #tpu.memory_space<vmem>>
    %dma_start3A_37 = arith.constant 0 : i32
    %dma_start3A_38 = arith.constant 0 : i32
    %dma_start3A_39 = tpu.memref_slice %arg2[%dma_start3A_37, %dma_start3A_38] : memref<10000x64xf32, #tpu.memory_space<hbm>> -> memref<10000x64xf32, #tpu.memory_space<hbm>>
    tpu.enqueue_indirect_dma source(%dma_start3A_39 : memref<10000x64xf32, #tpu.memory_space<hbm>>) target(%arg12 : memref<80x64xf32, #tpu.memory_space<vmem>>) offsets(%dma_start3A_36 : memref<80xi32, #tpu.memory_space<vmem>>) semaphore(%arg18 : memref<!tpu.dma_semaphore, #tpu.memory_space<semaphore_mem>>)
    %scan3A = arith.constant 0 : i32
    %scan3A_40 = arith.constant 0 : i32
    %scan3A_41 = arith.constant 25 : i32
    %scan3A_42 = arith.addi %scan3A_40, %scan3A_41 : i32
    %scan3A_43 = arith.constant 1 : i32
    scf.for %scan3A_46 = %scan3A_40 to %scan3A_42 step %scan3A_43  : i32 {
      %mul3A_47 = arith.constant 5 : i32
      %mul3A_48 = arith.muli %mul3A_47, %scan3A_46 : i32
      %add3A_49 = arith.constant 0 : i32
      %add3A_50 = arith.addi %mul3A_48, %add3A_49 : i32
      %dma_wait3A = arith.constant 0 : i32
      %dma_wait3A_51 = tpu.memref_slice %arg6[%add3A_50, %dma_wait3A] : memref<125x80xi32, #tpu.memory_space<vmem>> -> memref<1x80xi32, #tpu.memory_space<vmem>>
      %dma_wait3A_52 = tpu.memref_squeeze %dma_wait3A_51 : memref<1x80xi32, #tpu.memory_space<vmem>> -> memref<80xi32, #tpu.memory_space<vmem>>
      %dma_wait3A_53 = arith.constant 0 : i32
      %dma_wait3A_54 = arith.constant 0 : i32
      %dma_wait3A_55 = tpu.memref_slice %arg2[%dma_wait3A_53, %dma_wait3A_54] : memref<10000x64xf32, #tpu.memory_space<hbm>> -> memref<10000x64xf32, #tpu.memory_space<hbm>>
      tpu.wait_indirect_dma semaphore(%arg14 : memref<!tpu.dma_semaphore, #tpu.memory_space<semaphore_mem>>) src(%dma_wait3A_55 : memref<10000x64xf32, #tpu.memory_space<hbm>>) dst(%arg8 : memref<80x64xf32, #tpu.memory_space<vmem>>)
      %add3A_56 = arith.constant 0 : i32
      %add3A_57 = arith.addi %mul3A_48, %add3A_56 : i32
      %dma_start3A_58 = arith.constant 0 : i32
      %dma_start3A_59 = tpu.memref_slice %arg7[%add3A_57, %dma_start3A_58] : memref<125x80xi32, #tpu.memory_space<vmem>> -> memref<1x80xi32, #tpu.memory_space<vmem>>
      %dma_start3A_60 = tpu.memref_squeeze %dma_start3A_59 : memref<1x80xi32, #tpu.memory_space<vmem>> -> memref<80xi32, #tpu.memory_space<vmem>>
      %dma_start3A_61 = arith.constant 0 : i32
      %dma_start3A_62 = arith.constant 0 : i32
      %dma_start3A_63 = tpu.memref_slice %arg13[%dma_start3A_61, %dma_start3A_62] : memref<10000x64xf32, #tpu.memory_space<vmem_shared>> -> memref<10000x64xf32, #tpu.memory_space<vmem_shared>>
      tpu.enqueue_indirect_dma source(%arg8 : memref<80x64xf32, #tpu.memory_space<vmem>>) target(%dma_start3A_63 : memref<10000x64xf32, #tpu.memory_space<vmem_shared>>) offsets(%dma_start3A_60 : memref<80xi32, #tpu.memory_space<vmem>>) semaphore(%arg19 : memref<!tpu.dma_semaphore, #tpu.memory_space<semaphore_mem>>) {add = true}
      %add3A_64 = arith.constant 1 : i32
      %add3A_65 = arith.addi %mul3A_48, %add3A_64 : i32
      %dma_wait3A_66 = arith.constant 0 : i32
      %dma_wait3A_67 = tpu.memref_slice %arg6[%add3A_65, %dma_wait3A_66] : memref<125x80xi32, #tpu.memory_space<vmem>> -> memref<1x80xi32, #tpu.memory_space<vmem>>
      %dma_wait3A_68 = tpu.memref_squeeze %dma_wait3A_67 : memref<1x80xi32, #tpu.memory_space<vmem>> -> memref<80xi32, #tpu.memory_space<vmem>>
      %dma_wait3A_69 = arith.constant 0 : i32
      %dma_wait3A_70 = arith.constant 0 : i32
      %dma_wait3A_71 = tpu.memref_slice %arg2[%dma_wait3A_69, %dma_wait3A_70] : memref<10000x64xf32, #tpu.memory_space<hbm>> -> memref<10000x64xf32, #tpu.memory_space<hbm>>
      tpu.wait_indirect_dma semaphore(%arg15 : memref<!tpu.dma_semaphore, #tpu.memory_space<semaphore_mem>>) src(%dma_wait3A_71 : memref<10000x64xf32, #tpu.memory_space<hbm>>) dst(%arg9 : memref<80x64xf32, #tpu.memory_space<vmem>>)
      %add3A_72 = arith.constant 1 : i32
      %add3A_73 = arith.addi %mul3A_48, %add3A_72 : i32
      %dma_start3A_74 = arith.constant 0 : i32
      %dma_start3A_75 = tpu.memref_slice %arg7[%add3A_73, %dma_start3A_74] : memref<125x80xi32, #tpu.memory_space<vmem>> -> memref<1x80xi32, #tpu.memory_space<vmem>>
      %dma_start3A_76 = tpu.memref_squeeze %dma_start3A_75 : memref<1x80xi32, #tpu.memory_space<vmem>> -> memref<80xi32, #tpu.memory_space<vmem>>
      %dma_start3A_77 = arith.constant 0 : i32
      %dma_start3A_78 = arith.constant 0 : i32
      %dma_start3A_79 = tpu.memref_slice %arg13[%dma_start3A_77, %dma_start3A_78] : memref<10000x64xf32, #tpu.memory_space<vmem_shared>> -> memref<10000x64xf32, #tpu.memory_space<vmem_shared>>
      tpu.enqueue_indirect_dma source(%arg9 : memref<80x64xf32, #tpu.memory_space<vmem>>) target(%dma_start3A_79 : memref<10000x64xf32, #tpu.memory_space<vmem_shared>>) offsets(%dma_start3A_76 : memref<80xi32, #tpu.memory_space<vmem>>) semaphore(%arg20 : memref<!tpu.dma_semaphore, #tpu.memory_space<semaphore_mem>>) {add = true}
      %add3A_80 = arith.constant 2 : i32
      %add3A_81 = arith.addi %mul3A_48, %add3A_80 : i32
      %dma_wait3A_82 = arith.constant 0 : i32
      %dma_wait3A_83 = tpu.memref_slice %arg6[%add3A_81, %dma_wait3A_82] : memref<125x80xi32, #tpu.memory_space<vmem>> -> memref<1x80xi32, #tpu.memory_space<vmem>>
      %dma_wait3A_84 = tpu.memref_squeeze %dma_wait3A_83 : memref<1x80xi32, #tpu.memory_space<vmem>> -> memref<80xi32, #tpu.memory_space<vmem>>
      %dma_wait3A_85 = arith.constant 0 : i32
      %dma_wait3A_86 = arith.constant 0 : i32
      %dma_wait3A_87 = tpu.memref_slice %arg2[%dma_wait3A_85, %dma_wait3A_86] : memref<10000x64xf32, #tpu.memory_space<hbm>> -> memref<10000x64xf32, #tpu.memory_space<hbm>>
      tpu.wait_indirect_dma semaphore(%arg16 : memref<!tpu.dma_semaphore, #tpu.memory_space<semaphore_mem>>) src(%dma_wait3A_87 : memref<10000x64xf32, #tpu.memory_space<hbm>>) dst(%arg10 : memref<80x64xf32, #tpu.memory_space<vmem>>)
      %add3A_88 = arith.constant 2 : i32
      %add3A_89 = arith.addi %mul3A_48, %add3A_88 : i32
      %dma_start3A_90 = arith.constant 0 : i32
      %dma_start3A_91 = tpu.memref_slice %arg7[%add3A_89, %dma_start3A_90] : memref<125x80xi32, #tpu.memory_space<vmem>> -> memref<1x80xi32, #tpu.memory_space<vmem>>
      %dma_start3A_92 = tpu.memref_squeeze %dma_start3A_91 : memref<1x80xi32, #tpu.memory_space<vmem>> -> memref<80xi32, #tpu.memory_space<vmem>>
      %dma_start3A_93 = arith.constant 0 : i32
      %dma_start3A_94 = arith.constant 0 : i32
      %dma_start3A_95 = tpu.memref_slice %arg13[%dma_start3A_93, %dma_start3A_94] : memref<10000x64xf32, #tpu.memory_space<vmem_shared>> -> memref<10000x64xf32, #tpu.memory_space<vmem_shared>>
      tpu.enqueue_indirect_dma source(%arg10 : memref<80x64xf32, #tpu.memory_space<vmem>>) target(%dma_start3A_95 : memref<10000x64xf32, #tpu.memory_space<vmem_shared>>) offsets(%dma_start3A_92 : memref<80xi32, #tpu.memory_space<vmem>>) semaphore(%arg21 : memref<!tpu.dma_semaphore, #tpu.memory_space<semaphore_mem>>) {add = true}
      %add3A_96 = arith.constant 3 : i32
      %add3A_97 = arith.addi %mul3A_48, %add3A_96 : i32
      %dma_wait3A_98 = arith.constant 0 : i32
      %dma_wait3A_99 = tpu.memref_slice %arg6[%add3A_97, %dma_wait3A_98] : memref<125x80xi32, #tpu.memory_space<vmem>> -> memref<1x80xi32, #tpu.memory_space<vmem>>
      %dma_wait3A_100 = tpu.memref_squeeze %dma_wait3A_99 : memref<1x80xi32, #tpu.memory_space<vmem>> -> memref<80xi32, #tpu.memory_space<vmem>>
      %dma_wait3A_101 = arith.constant 0 : i32
      %dma_wait3A_102 = arith.constant 0 : i32
      %dma_wait3A_103 = tpu.memref_slice %arg2[%dma_wait3A_101, %dma_wait3A_102] : memref<10000x64xf32, #tpu.memory_space<hbm>> -> memref<10000x64xf32, #tpu.memory_space<hbm>>
      tpu.wait_indirect_dma semaphore(%arg17 : memref<!tpu.dma_semaphore, #tpu.memory_space<semaphore_mem>>) src(%dma_wait3A_103 : memref<10000x64xf32, #tpu.memory_space<hbm>>) dst(%arg11 : memref<80x64xf32, #tpu.memory_space<vmem>>)
      %add3A_104 = arith.constant 3 : i32
      %add3A_105 = arith.addi %mul3A_48, %add3A_104 : i32
      %dma_start3A_106 = arith.constant 0 : i32
      %dma_start3A_107 = tpu.memref_slice %arg7[%add3A_105, %dma_start3A_106] : memref<125x80xi32, #tpu.memory_space<vmem>> -> memref<1x80xi32, #tpu.memory_space<vmem>>
      %dma_start3A_108 = tpu.memref_squeeze %dma_start3A_107 : memref<1x80xi32, #tpu.memory_space<vmem>> -> memref<80xi32, #tpu.memory_space<vmem>>
      %dma_start3A_109 = arith.constant 0 : i32
      %dma_start3A_110 = arith.constant 0 : i32
      %dma_start3A_111 = tpu.memref_slice %arg13[%dma_start3A_109, %dma_start3A_110] : memref<10000x64xf32, #tpu.memory_space<vmem_shared>> -> memref<10000x64xf32, #tpu.memory_space<vmem_shared>>
      tpu.enqueue_indirect_dma source(%arg11 : memref<80x64xf32, #tpu.memory_space<vmem>>) target(%dma_start3A_111 : memref<10000x64xf32, #tpu.memory_space<vmem_shared>>) offsets(%dma_start3A_108 : memref<80xi32, #tpu.memory_space<vmem>>) semaphore(%arg22 : memref<!tpu.dma_semaphore, #tpu.memory_space<semaphore_mem>>) {add = true}
      %add3A_112 = arith.constant 4 : i32
      %add3A_113 = arith.addi %mul3A_48, %add3A_112 : i32
      %dma_wait3A_114 = arith.constant 0 : i32
      %dma_wait3A_115 = tpu.memref_slice %arg6[%add3A_113, %dma_wait3A_114] : memref<125x80xi32, #tpu.memory_space<vmem>> -> memref<1x80xi32, #tpu.memory_space<vmem>>
      %dma_wait3A_116 = tpu.memref_squeeze %dma_wait3A_115 : memref<1x80xi32, #tpu.memory_space<vmem>> -> memref<80xi32, #tpu.memory_space<vmem>>
      %dma_wait3A_117 = arith.constant 0 : i32
      %dma_wait3A_118 = arith.constant 0 : i32
      %dma_wait3A_119 = tpu.memref_slice %arg2[%dma_wait3A_117, %dma_wait3A_118] : memref<10000x64xf32, #tpu.memory_space<hbm>> -> memref<10000x64xf32, #tpu.memory_space<hbm>>
      tpu.wait_indirect_dma semaphore(%arg18 : memref<!tpu.dma_semaphore, #tpu.memory_space<semaphore_mem>>) src(%dma_wait3A_119 : memref<10000x64xf32, #tpu.memory_space<hbm>>) dst(%arg12 : memref<80x64xf32, #tpu.memory_space<vmem>>)
      %add3A_120 = arith.constant 4 : i32
      %add3A_121 = arith.addi %mul3A_48, %add3A_120 : i32
      %dma_start3A_122 = arith.constant 0 : i32
      %dma_start3A_123 = tpu.memref_slice %arg7[%add3A_121, %dma_start3A_122] : memref<125x80xi32, #tpu.memory_space<vmem>> -> memref<1x80xi32, #tpu.memory_space<vmem>>
      %dma_start3A_124 = tpu.memref_squeeze %dma_start3A_123 : memref<1x80xi32, #tpu.memory_space<vmem>> -> memref<80xi32, #tpu.memory_space<vmem>>
      %dma_start3A_125 = arith.constant 0 : i32
      %dma_start3A_126 = arith.constant 0 : i32
      %dma_start3A_127 = tpu.memref_slice %arg13[%dma_start3A_125, %dma_start3A_126] : memref<10000x64xf32, #tpu.memory_space<vmem_shared>> -> memref<10000x64xf32, #tpu.memory_space<vmem_shared>>
      tpu.enqueue_indirect_dma source(%arg12 : memref<80x64xf32, #tpu.memory_space<vmem>>) target(%dma_start3A_127 : memref<10000x64xf32, #tpu.memory_space<vmem_shared>>) offsets(%dma_start3A_124 : memref<80xi32, #tpu.memory_space<vmem>>) semaphore(%arg23 : memref<!tpu.dma_semaphore, #tpu.memory_space<semaphore_mem>>) {add = true}
      %add3A_128 = arith.constant 0 : i32
      %add3A_129 = arith.addi %mul3A_48, %add3A_128 : i32
      %dma_wait3A_130 = arith.constant 0 : i32
      %dma_wait3A_131 = tpu.memref_slice %arg7[%add3A_129, %dma_wait3A_130] : memref<125x80xi32, #tpu.memory_space<vmem>> -> memref<1x80xi32, #tpu.memory_space<vmem>>
      %dma_wait3A_132 = tpu.memref_squeeze %dma_wait3A_131 : memref<1x80xi32, #tpu.memory_space<vmem>> -> memref<80xi32, #tpu.memory_space<vmem>>
      %dma_wait3A_133 = arith.constant 0 : i32
      %dma_wait3A_134 = arith.constant 0 : i32
      %dma_wait3A_135 = tpu.memref_slice %arg13[%dma_wait3A_133, %dma_wait3A_134] : memref<10000x64xf32, #tpu.memory_space<vmem_shared>> -> memref<10000x64xf32, #tpu.memory_space<vmem_shared>>
      tpu.wait_indirect_dma semaphore(%arg19 : memref<!tpu.dma_semaphore, #tpu.memory_space<semaphore_mem>>) src(%arg8 : memref<80x64xf32, #tpu.memory_space<vmem>>) dst(%dma_wait3A_135 : memref<10000x64xf32, #tpu.memory_space<vmem_shared>>)
      %add3A_136 = arith.constant 5 : i32
      %add3A_137 = arith.addi %mul3A_48, %add3A_136 : i32
      %add3A_138 = arith.constant 0 : i32
      %add3A_139 = arith.addi %add3A_137, %add3A_138 : i32
      %lt3A = arith.constant 125 : i32
      %lt3A_140 = arith.cmpi slt, %add3A_139, %lt3A : i32
      %convert_element_type3A = arith.extui %lt3A_140 : i1 to i32
      %cond3A = arith.constant 0 : i32
      %cond3A_141 = arith.cmpi ne, %convert_element_type3A, %cond3A : i32
      scf.if %cond3A_141 {
        %add3A_210 = arith.constant 5 : i32
        %add3A_211 = arith.addi %mul3A_48, %add3A_210 : i32
        %add3A_212 = arith.constant 0 : i32
        %add3A_213 = arith.addi %add3A_211, %add3A_212 : i32
        %dma_start3A_214 = arith.constant 0 : i32
        %dma_start3A_215 = tpu.memref_slice %arg6[%add3A_213, %dma_start3A_214] : memref<125x80xi32, #tpu.memory_space<vmem>> -> memref<1x80xi32, #tpu.memory_space<vmem>>
        %dma_start3A_216 = tpu.memref_squeeze %dma_start3A_215 : memref<1x80xi32, #tpu.memory_space<vmem>> -> memref<80xi32, #tpu.memory_space<vmem>>
        %dma_start3A_217 = arith.constant 0 : i32
        %dma_start3A_218 = arith.constant 0 : i32
        %dma_start3A_219 = tpu.memref_slice %arg2[%dma_start3A_217, %dma_start3A_218] : memref<10000x64xf32, #tpu.memory_space<hbm>> -> memref<10000x64xf32, #tpu.memory_space<hbm>>
        tpu.enqueue_indirect_dma source(%dma_start3A_219 : memref<10000x64xf32, #tpu.memory_space<hbm>>) target(%arg8 : memref<80x64xf32, #tpu.memory_space<vmem>>) offsets(%dma_start3A_216 : memref<80xi32, #tpu.memory_space<vmem>>) semaphore(%arg14 : memref<!tpu.dma_semaphore, #tpu.memory_space<semaphore_mem>>)
      } else {
      }
      %add3A_142 = arith.constant 1 : i32
      %add3A_143 = arith.addi %mul3A_48, %add3A_142 : i32
      %dma_wait3A_144 = arith.constant 0 : i32
      %dma_wait3A_145 = tpu.memref_slice %arg7[%add3A_143, %dma_wait3A_144] : memref<125x80xi32, #tpu.memory_space<vmem>> -> memref<1x80xi32, #tpu.memory_space<vmem>>
      %dma_wait3A_146 = tpu.memref_squeeze %dma_wait3A_145 : memref<1x80xi32, #tpu.memory_space<vmem>> -> memref<80xi32, #tpu.memory_space<vmem>>
      %dma_wait3A_147 = arith.constant 0 : i32
      %dma_wait3A_148 = arith.constant 0 : i32
      %dma_wait3A_149 = tpu.memref_slice %arg13[%dma_wait3A_147, %dma_wait3A_148] : memref<10000x64xf32, #tpu.memory_space<vmem_shared>> -> memref<10000x64xf32, #tpu.memory_space<vmem_shared>>
      tpu.wait_indirect_dma semaphore(%arg20 : memref<!tpu.dma_semaphore, #tpu.memory_space<semaphore_mem>>) src(%arg9 : memref<80x64xf32, #tpu.memory_space<vmem>>) dst(%dma_wait3A_149 : memref<10000x64xf32, #tpu.memory_space<vmem_shared>>)
      %add3A_150 = arith.constant 5 : i32
      %add3A_151 = arith.addi %mul3A_48, %add3A_150 : i32
      %add3A_152 = arith.constant 1 : i32
      %add3A_153 = arith.addi %add3A_151, %add3A_152 : i32
      %lt3A_154 = arith.constant 125 : i32
      %lt3A_155 = arith.cmpi slt, %add3A_153, %lt3A_154 : i32
      %convert_element_type3A_156 = arith.extui %lt3A_155 : i1 to i32
      %cond3A_157 = arith.constant 0 : i32
      %cond3A_158 = arith.cmpi ne, %convert_element_type3A_156, %cond3A_157 : i32
      scf.if %cond3A_158 {
        %add3A_210 = arith.constant 5 : i32
        %add3A_211 = arith.addi %mul3A_48, %add3A_210 : i32
        %add3A_212 = arith.constant 1 : i32
        %add3A_213 = arith.addi %add3A_211, %add3A_212 : i32
        %dma_start3A_214 = arith.constant 0 : i32
        %dma_start3A_215 = tpu.memref_slice %arg6[%add3A_213, %dma_start3A_214] : memref<125x80xi32, #tpu.memory_space<vmem>> -> memref<1x80xi32, #tpu.memory_space<vmem>>
        %dma_start3A_216 = tpu.memref_squeeze %dma_start3A_215 : memref<1x80xi32, #tpu.memory_space<vmem>> -> memref<80xi32, #tpu.memory_space<vmem>>
        %dma_start3A_217 = arith.constant 0 : i32
        %dma_start3A_218 = arith.constant 0 : i32
        %dma_start3A_219 = tpu.memref_slice %arg2[%dma_start3A_217, %dma_start3A_218] : memref<10000x64xf32, #tpu.memory_space<hbm>> -> memref<10000x64xf32, #tpu.memory_space<hbm>>
        tpu.enqueue_indirect_dma source(%dma_start3A_219 : memref<10000x64xf32, #tpu.memory_space<hbm>>) target(%arg9 : memref<80x64xf32, #tpu.memory_space<vmem>>) offsets(%dma_start3A_216 : memref<80xi32, #tpu.memory_space<vmem>>) semaphore(%arg15 : memref<!tpu.dma_semaphore, #tpu.memory_space<semaphore_mem>>)
      } else {
      }
      %add3A_159 = arith.constant 2 : i32
      %add3A_160 = arith.addi %mul3A_48, %add3A_159 : i32
      %dma_wait3A_161 = arith.constant 0 : i32
      %dma_wait3A_162 = tpu.memref_slice %arg7[%add3A_160, %dma_wait3A_161] : memref<125x80xi32, #tpu.memory_space<vmem>> -> memref<1x80xi32, #tpu.memory_space<vmem>>
      %dma_wait3A_163 = tpu.memref_squeeze %dma_wait3A_162 : memref<1x80xi32, #tpu.memory_space<vmem>> -> memref<80xi32, #tpu.memory_space<vmem>>
      %dma_wait3A_164 = arith.constant 0 : i32
      %dma_wait3A_165 = arith.constant 0 : i32
      %dma_wait3A_166 = tpu.memref_slice %arg13[%dma_wait3A_164, %dma_wait3A_165] : memref<10000x64xf32, #tpu.memory_space<vmem_shared>> -> memref<10000x64xf32, #tpu.memory_space<vmem_shared>>
      tpu.wait_indirect_dma semaphore(%arg21 : memref<!tpu.dma_semaphore, #tpu.memory_space<semaphore_mem>>) src(%arg10 : memref<80x64xf32, #tpu.memory_space<vmem>>) dst(%dma_wait3A_166 : memref<10000x64xf32, #tpu.memory_space<vmem_shared>>)
      %add3A_167 = arith.constant 5 : i32
      %add3A_168 = arith.addi %mul3A_48, %add3A_167 : i32
      %add3A_169 = arith.constant 2 : i32
      %add3A_170 = arith.addi %add3A_168, %add3A_169 : i32
      %lt3A_171 = arith.constant 125 : i32
      %lt3A_172 = arith.cmpi slt, %add3A_170, %lt3A_171 : i32
      %convert_element_type3A_173 = arith.extui %lt3A_172 : i1 to i32
      %cond3A_174 = arith.constant 0 : i32
      %cond3A_175 = arith.cmpi ne, %convert_element_type3A_173, %cond3A_174 : i32
      scf.if %cond3A_175 {
        %add3A_210 = arith.constant 5 : i32
        %add3A_211 = arith.addi %mul3A_48, %add3A_210 : i32
        %add3A_212 = arith.constant 2 : i32
        %add3A_213 = arith.addi %add3A_211, %add3A_212 : i32
        %dma_start3A_214 = arith.constant 0 : i32
        %dma_start3A_215 = tpu.memref_slice %arg6[%add3A_213, %dma_start3A_214] : memref<125x80xi32, #tpu.memory_space<vmem>> -> memref<1x80xi32, #tpu.memory_space<vmem>>
        %dma_start3A_216 = tpu.memref_squeeze %dma_start3A_215 : memref<1x80xi32, #tpu.memory_space<vmem>> -> memref<80xi32, #tpu.memory_space<vmem>>
        %dma_start3A_217 = arith.constant 0 : i32
        %dma_start3A_218 = arith.constant 0 : i32
        %dma_start3A_219 = tpu.memref_slice %arg2[%dma_start3A_217, %dma_start3A_218] : memref<10000x64xf32, #tpu.memory_space<hbm>> -> memref<10000x64xf32, #tpu.memory_space<hbm>>
        tpu.enqueue_indirect_dma source(%dma_start3A_219 : memref<10000x64xf32, #tpu.memory_space<hbm>>) target(%arg10 : memref<80x64xf32, #tpu.memory_space<vmem>>) offsets(%dma_start3A_216 : memref<80xi32, #tpu.memory_space<vmem>>) semaphore(%arg16 : memref<!tpu.dma_semaphore, #tpu.memory_space<semaphore_mem>>)
      } else {
      }
      %add3A_176 = arith.constant 3 : i32
      %add3A_177 = arith.addi %mul3A_48, %add3A_176 : i32
      %dma_wait3A_178 = arith.constant 0 : i32
      %dma_wait3A_179 = tpu.memref_slice %arg7[%add3A_177, %dma_wait3A_178] : memref<125x80xi32, #tpu.memory_space<vmem>> -> memref<1x80xi32, #tpu.memory_space<vmem>>
      %dma_wait3A_180 = tpu.memref_squeeze %dma_wait3A_179 : memref<1x80xi32, #tpu.memory_space<vmem>> -> memref<80xi32, #tpu.memory_space<vmem>>
      %dma_wait3A_181 = arith.constant 0 : i32
      %dma_wait3A_182 = arith.constant 0 : i32
      %dma_wait3A_183 = tpu.memref_slice %arg13[%dma_wait3A_181, %dma_wait3A_182] : memref<10000x64xf32, #tpu.memory_space<vmem_shared>> -> memref<10000x64xf32, #tpu.memory_space<vmem_shared>>
      tpu.wait_indirect_dma semaphore(%arg22 : memref<!tpu.dma_semaphore, #tpu.memory_space<semaphore_mem>>) src(%arg11 : memref<80x64xf32, #tpu.memory_space<vmem>>) dst(%dma_wait3A_183 : memref<10000x64xf32, #tpu.memory_space<vmem_shared>>)
      %add3A_184 = arith.constant 5 : i32
      %add3A_185 = arith.addi %mul3A_48, %add3A_184 : i32
      %add3A_186 = arith.constant 3 : i32
      %add3A_187 = arith.addi %add3A_185, %add3A_186 : i32
      %lt3A_188 = arith.constant 125 : i32
      %lt3A_189 = arith.cmpi slt, %add3A_187, %lt3A_188 : i32
      %convert_element_type3A_190 = arith.extui %lt3A_189 : i1 to i32
      %cond3A_191 = arith.constant 0 : i32
      %cond3A_192 = arith.cmpi ne, %convert_element_type3A_190, %cond3A_191 : i32
      scf.if %cond3A_192 {
        %add3A_210 = arith.constant 5 : i32
        %add3A_211 = arith.addi %mul3A_48, %add3A_210 : i32
        %add3A_212 = arith.constant 3 : i32
        %add3A_213 = arith.addi %add3A_211, %add3A_212 : i32
        %dma_start3A_214 = arith.constant 0 : i32
        %dma_start3A_215 = tpu.memref_slice %arg6[%add3A_213, %dma_start3A_214] : memref<125x80xi32, #tpu.memory_space<vmem>> -> memref<1x80xi32, #tpu.memory_space<vmem>>
        %dma_start3A_216 = tpu.memref_squeeze %dma_start3A_215 : memref<1x80xi32, #tpu.memory_space<vmem>> -> memref<80xi32, #tpu.memory_space<vmem>>
        %dma_start3A_217 = arith.constant 0 : i32
        %dma_start3A_218 = arith.constant 0 : i32
        %dma_start3A_219 = tpu.memref_slice %arg2[%dma_start3A_217, %dma_start3A_218] : memref<10000x64xf32, #tpu.memory_space<hbm>> -> memref<10000x64xf32, #tpu.memory_space<hbm>>
        tpu.enqueue_indirect_dma source(%dma_start3A_219 : memref<10000x64xf32, #tpu.memory_space<hbm>>) target(%arg11 : memref<80x64xf32, #tpu.memory_space<vmem>>) offsets(%dma_start3A_216 : memref<80xi32, #tpu.memory_space<vmem>>) semaphore(%arg17 : memref<!tpu.dma_semaphore, #tpu.memory_space<semaphore_mem>>)
      } else {
      }
      %add3A_193 = arith.constant 4 : i32
      %add3A_194 = arith.addi %mul3A_48, %add3A_193 : i32
      %dma_wait3A_195 = arith.constant 0 : i32
      %dma_wait3A_196 = tpu.memref_slice %arg7[%add3A_194, %dma_wait3A_195] : memref<125x80xi32, #tpu.memory_space<vmem>> -> memref<1x80xi32, #tpu.memory_space<vmem>>
      %dma_wait3A_197 = tpu.memref_squeeze %dma_wait3A_196 : memref<1x80xi32, #tpu.memory_space<vmem>> -> memref<80xi32, #tpu.memory_space<vmem>>
      %dma_wait3A_198 = arith.constant 0 : i32
      %dma_wait3A_199 = arith.constant 0 : i32
      %dma_wait3A_200 = tpu.memref_slice %arg13[%dma_wait3A_198, %dma_wait3A_199] : memref<10000x64xf32, #tpu.memory_space<vmem_shared>> -> memref<10000x64xf32, #tpu.memory_space<vmem_shared>>
      tpu.wait_indirect_dma semaphore(%arg23 : memref<!tpu.dma_semaphore, #tpu.memory_space<semaphore_mem>>) src(%arg12 : memref<80x64xf32, #tpu.memory_space<vmem>>) dst(%dma_wait3A_200 : memref<10000x64xf32, #tpu.memory_space<vmem_shared>>)
      %add3A_201 = arith.constant 5 : i32
      %add3A_202 = arith.addi %mul3A_48, %add3A_201 : i32
      %add3A_203 = arith.constant 4 : i32
      %add3A_204 = arith.addi %add3A_202, %add3A_203 : i32
      %lt3A_205 = arith.constant 125 : i32
      %lt3A_206 = arith.cmpi slt, %add3A_204, %lt3A_205 : i32
      %convert_element_type3A_207 = arith.extui %lt3A_206 : i1 to i32
      %cond3A_208 = arith.constant 0 : i32
      %cond3A_209 = arith.cmpi ne, %convert_element_type3A_207, %cond3A_208 : i32
      scf.if %cond3A_209 {
        %add3A_210 = arith.constant 5 : i32
        %add3A_211 = arith.addi %mul3A_48, %add3A_210 : i32
        %add3A_212 = arith.constant 4 : i32
        %add3A_213 = arith.addi %add3A_211, %add3A_212 : i32
        %dma_start3A_214 = arith.constant 0 : i32
        %dma_start3A_215 = tpu.memref_slice %arg6[%add3A_213, %dma_start3A_214] : memref<125x80xi32, #tpu.memory_space<vmem>> -> memref<1x80xi32, #tpu.memory_space<vmem>>
        %dma_start3A_216 = tpu.memref_squeeze %dma_start3A_215 : memref<1x80xi32, #tpu.memory_space<vmem>> -> memref<80xi32, #tpu.memory_space<vmem>>
        %dma_start3A_217 = arith.constant 0 : i32
        %dma_start3A_218 = arith.constant 0 : i32
        %dma_start3A_219 = tpu.memref_slice %arg2[%dma_start3A_217, %dma_start3A_218] : memref<10000x64xf32, #tpu.memory_space<hbm>> -> memref<10000x64xf32, #tpu.memory_space<hbm>>
        tpu.enqueue_indirect_dma source(%dma_start3A_219 : memref<10000x64xf32, #tpu.memory_space<hbm>>) target(%arg12 : memref<80x64xf32, #tpu.memory_space<vmem>>) offsets(%dma_start3A_216 : memref<80xi32, #tpu.memory_space<vmem>>) semaphore(%arg18 : memref<!tpu.dma_semaphore, #tpu.memory_space<semaphore_mem>>)
      } else {
      }
    }
    %scan3A_44 = arith.constant 25 : i32
    %barrier3A_45 = arith.constant 0 : index
    tpu.barrier barrier_id(%barrier3A_45)
    "tpu.region"() ({
      %run_scoped3A_46 = tpu.sem_alloc : memref<!tpu.dma_semaphore, #tpu.memory_space<semaphore_mem>>
      %dma_start3A_47 = arith.constant 0 : i32
      %dma_start3A_48 = tpu.memref_slice %arg5[%arg0, %mul3A_2, %dma_start3A_47] : memref<2x10000x64xf32, #tpu.memory_space<hbm>> -> memref<1x625x64xf32, #tpu.memory_space<hbm>>
      %dma_start3A_49 = tpu.memref_squeeze %dma_start3A_48 : memref<1x625x64xf32, #tpu.memory_space<hbm>> -> memref<625x64xf32, #tpu.memory_space<hbm>>
      %dma_start3A_50 = arith.constant 0 : i32
      %dma_start3A_51 = tpu.memref_slice %arg13[%mul3A_2, %dma_start3A_50] : memref<10000x64xf32, #tpu.memory_space<vmem_shared>> -> memref<625x64xf32, #tpu.memory_space<vmem_shared>>
      tpu.enqueue_dma source(%dma_start3A_51 : memref<625x64xf32, #tpu.memory_space<vmem_shared>>) target(%dma_start3A_49 : memref<625x64xf32, #tpu.memory_space<hbm>>) target_semaphore(%run_scoped3A_46 : memref<!tpu.dma_semaphore, #tpu.memory_space<semaphore_mem>>)
      %dma_wait3A = arith.constant 0 : i32
      %dma_wait3A_52 = tpu.memref_slice %arg5[%arg0, %mul3A_2, %dma_wait3A] : memref<2x10000x64xf32, #tpu.memory_space<hbm>> -> memref<1x625x64xf32, #tpu.memory_space<hbm>>
      %dma_wait3A_53 = tpu.memref_squeeze %dma_wait3A_52 : memref<1x625x64xf32, #tpu.memory_space<hbm>> -> memref<625x64xf32, #tpu.memory_space<hbm>>
      %dma_wait3A_54 = arith.constant 0 : i32
      %dma_wait3A_55 = tpu.memref_slice %arg13[%mul3A_2, %dma_wait3A_54] : memref<10000x64xf32, #tpu.memory_space<vmem_shared>> -> memref<625x64xf32, #tpu.memory_space<vmem_shared>>
      tpu.wait_dma2 semaphore(%run_scoped3A_46 : memref<!tpu.dma_semaphore, #tpu.memory_space<semaphore_mem>>) src(%dma_wait3A_55 : memref<625x64xf32, #tpu.memory_space<vmem_shared>>) dst(%dma_wait3A_53 : memref<625x64xf32, #tpu.memory_space<hbm>>)
      tpu.yield
    }) : () -> ()
    return
  }
}

#map = affine_map<(d0, d1) -> (0, 0)>
#map1 = affine_map<(d0, d1) -> (0, 0, 0, 0)>
#map2 = affine_map<(d0, d1) -> (0, 0, 0)>
module attributes {stable_mosaic.version = 14 : i64} {
  func.func @_sc_apply_deg(%arg0: i32, %arg1: i32, %arg2: memref<10000x64xf32, #tpu.memory_space<hbm>>, %arg3: memref<2x32x125x80xi32, #tpu.memory_space<hbm>>, %arg4: memref<625x64xf32, #tpu.memory_space<hbm>>, %arg5: memref<625x16xf32, #tpu.memory_space<hbm>>, %arg6: memref<80x16xf32, #tpu.memory_space<hbm>>, %arg7: memref<2x10000x64xf32, #tpu.memory_space<hbm>>, %arg8: memref<2x10000x16xf32, #tpu.memory_space<hbm>>, %arg9: memref<125x80xi32, #tpu.memory_space<vmem>>, %arg10: memref<125x80xi32, #tpu.memory_space<vmem>>, %arg11: memref<80x64xf32, #tpu.memory_space<vmem>>, %arg12: memref<80x64xf32, #tpu.memory_space<vmem>>, %arg13: memref<80x64xf32, #tpu.memory_space<vmem>>, %arg14: memref<80x64xf32, #tpu.memory_space<vmem>>, %arg15: memref<80x64xf32, #tpu.memory_space<vmem>>, %arg16: memref<80x16xf32, #tpu.memory_space<vmem>>, %arg17: memref<10000x64xf32, #tpu.memory_space<vmem_shared>>, %arg18: memref<10000x16xf32, #tpu.memory_space<vmem_shared>>, %arg19: memref<!tpu.dma_semaphore, #tpu.memory_space<semaphore_mem>>, %arg20: memref<!tpu.dma_semaphore, #tpu.memory_space<semaphore_mem>>, %arg21: memref<!tpu.dma_semaphore, #tpu.memory_space<semaphore_mem>>, %arg22: memref<!tpu.dma_semaphore, #tpu.memory_space<semaphore_mem>>, %arg23: memref<!tpu.dma_semaphore, #tpu.memory_space<semaphore_mem>>, %arg24: memref<!tpu.dma_semaphore, #tpu.memory_space<semaphore_mem>>, %arg25: memref<!tpu.dma_semaphore, #tpu.memory_space<semaphore_mem>>, %arg26: memref<!tpu.dma_semaphore, #tpu.memory_space<semaphore_mem>>, %arg27: memref<!tpu.dma_semaphore, #tpu.memory_space<semaphore_mem>>, %arg28: memref<!tpu.dma_semaphore, #tpu.memory_space<semaphore_mem>>, %arg29: memref<!tpu.dma_semaphore, #tpu.memory_space<semaphore_mem>>) attributes {dimension_semantics = [#tpu.dimension_semantics<core_parallel>, #tpu.dimension_semantics<subcore_parallel>], iteration_bounds = array<i64: 2, 16>, scalar_prefetch = 0 : i64, scratch_operands = 21 : i64, tpu.core_type = #tpu.core_type<sc_vector_subcore>, window_params = [{transform_indices = #map}, {transform_indices = #map1}, {transform_indices = #map}, {transform_indices = #map}, {transform_indices = #map}, {transform_indices = #map2}, {transform_indices = #map2}]} {
    %mul3A = arith.constant 16 : i32
    %mul3A_0 = arith.muli %arg0, %mul3A : i32
    %add3A = arith.addi %mul3A_0, %arg1 : i32
    %mul3A_1 = arith.constant 625 : i32
    %mul3A_2 = arith.muli %arg1, %mul3A_1 : i32
    %mul3A_3 = arith.constant 625 : i32
    %mul3A_4 = arith.muli %arg1, %mul3A_3 : i32
    "tpu.region"() ({
      %run_scoped3A_48 = tpu.sem_alloc : memref<!tpu.dma_semaphore, #tpu.memory_space<semaphore_mem>>
      %dma_start3A_49 = arith.constant 0 : i32
      %dma_start3A_50 = tpu.memref_slice %arg17[%mul3A_4, %dma_start3A_49] : memref<10000x64xf32, #tpu.memory_space<vmem_shared>> -> memref<625x64xf32, #tpu.memory_space<vmem_shared>>
      tpu.enqueue_dma source(%arg4 : memref<625x64xf32, #tpu.memory_space<hbm>>) target(%dma_start3A_50 : memref<625x64xf32, #tpu.memory_space<vmem_shared>>) target_semaphore(%run_scoped3A_48 : memref<!tpu.dma_semaphore, #tpu.memory_space<semaphore_mem>>)
      %dma_wait3A = arith.constant 0 : i32
      %dma_wait3A_51 = tpu.memref_slice %arg17[%mul3A_4, %dma_wait3A] : memref<10000x64xf32, #tpu.memory_space<vmem_shared>> -> memref<625x64xf32, #tpu.memory_space<vmem_shared>>
      tpu.wait_dma2 semaphore(%run_scoped3A_48 : memref<!tpu.dma_semaphore, #tpu.memory_space<semaphore_mem>>) src(%arg4 : memref<625x64xf32, #tpu.memory_space<hbm>>) dst(%dma_wait3A_51 : memref<625x64xf32, #tpu.memory_space<vmem_shared>>)
      tpu.yield
    }) : () -> ()
    %mul3A_5 = arith.constant 625 : i32
    %mul3A_6 = arith.muli %arg1, %mul3A_5 : i32
    "tpu.region"() ({
      %run_scoped3A_48 = tpu.sem_alloc : memref<!tpu.dma_semaphore, #tpu.memory_space<semaphore_mem>>
      %dma_start3A_49 = arith.constant 0 : i32
      %dma_start3A_50 = tpu.memref_slice %arg18[%mul3A_6, %dma_start3A_49] : memref<10000x16xf32, #tpu.memory_space<vmem_shared>> -> memref<625x16xf32, #tpu.memory_space<vmem_shared>>
      tpu.enqueue_dma source(%arg5 : memref<625x16xf32, #tpu.memory_space<hbm>>) target(%dma_start3A_50 : memref<625x16xf32, #tpu.memory_space<vmem_shared>>) target_semaphore(%run_scoped3A_48 : memref<!tpu.dma_semaphore, #tpu.memory_space<semaphore_mem>>)
      %dma_wait3A = arith.constant 0 : i32
      %dma_wait3A_51 = tpu.memref_slice %arg18[%mul3A_6, %dma_wait3A] : memref<10000x16xf32, #tpu.memory_space<vmem_shared>> -> memref<625x16xf32, #tpu.memory_space<vmem_shared>>
      tpu.wait_dma2 semaphore(%run_scoped3A_48 : memref<!tpu.dma_semaphore, #tpu.memory_space<semaphore_mem>>) src(%arg5 : memref<625x16xf32, #tpu.memory_space<hbm>>) dst(%dma_wait3A_51 : memref<625x16xf32, #tpu.memory_space<vmem_shared>>)
      tpu.yield
    }) : () -> ()
    %run_scoped3A = arith.constant 0 : i32
    "tpu.region"() ({
      %run_scoped3A_48 = tpu.sem_alloc : memref<!tpu.dma_semaphore, #tpu.memory_space<semaphore_mem>>
      %dma_start3A_49 = arith.constant 0 : i32
      %dma_start3A_50 = arith.constant 0 : i32
      %dma_start3A_51 = tpu.memref_slice %arg3[%run_scoped3A, %add3A, %dma_start3A_49, %dma_start3A_50] : memref<2x32x125x80xi32, #tpu.memory_space<hbm>> -> memref<1x1x125x80xi32, #tpu.memory_space<hbm>>
      %dma_start3A_52 = tpu.memref_squeeze %dma_start3A_51 : memref<1x1x125x80xi32, #tpu.memory_space<hbm>> -> memref<125x80xi32, #tpu.memory_space<hbm>>
      %dma_start3A_53 = arith.constant 0 : i32
      %dma_start3A_54 = arith.constant 0 : i32
      %dma_start3A_55 = tpu.memref_slice %arg3[%run_scoped3A, %add3A, %dma_start3A_53, %dma_start3A_54] : memref<2x32x125x80xi32, #tpu.memory_space<hbm>> -> memref<1x1x125x80xi32, #tpu.memory_space<hbm>>
      %dma_start3A_56 = tpu.memref_squeeze %dma_start3A_55 : memref<1x1x125x80xi32, #tpu.memory_space<hbm>> -> memref<125x80xi32, #tpu.memory_space<hbm>>
      tpu.enqueue_dma source(%dma_start3A_56 : memref<125x80xi32, #tpu.memory_space<hbm>>) target(%arg9 : memref<125x80xi32, #tpu.memory_space<vmem>>) target_semaphore(%run_scoped3A_48 : memref<!tpu.dma_semaphore, #tpu.memory_space<semaphore_mem>>)
      %dma_wait3A = arith.constant 0 : i32
      %dma_wait3A_57 = arith.constant 0 : i32
      %dma_wait3A_58 = tpu.memref_slice %arg3[%run_scoped3A, %add3A, %dma_wait3A, %dma_wait3A_57] : memref<2x32x125x80xi32, #tpu.memory_space<hbm>> -> memref<1x1x125x80xi32, #tpu.memory_space<hbm>>
      %dma_wait3A_59 = tpu.memref_squeeze %dma_wait3A_58 : memref<1x1x125x80xi32, #tpu.memory_space<hbm>> -> memref<125x80xi32, #tpu.memory_space<hbm>>
      %dma_wait3A_60 = arith.constant 0 : i32
      %dma_wait3A_61 = arith.constant 0 : i32
      %dma_wait3A_62 = tpu.memref_slice %arg3[%run_scoped3A, %add3A, %dma_wait3A_60, %dma_wait3A_61] : memref<2x32x125x80xi32, #tpu.memory_space<hbm>> -> memref<1x1x125x80xi32, #tpu.memory_space<hbm>>
      %dma_wait3A_63 = tpu.memref_squeeze %dma_wait3A_62 : memref<1x1x125x80xi32, #tpu.memory_space<hbm>> -> memref<125x80xi32, #tpu.memory_space<hbm>>
      tpu.wait_dma2 semaphore(%run_scoped3A_48 : memref<!tpu.dma_semaphore, #tpu.memory_space<semaphore_mem>>) src(%dma_wait3A_63 : memref<125x80xi32, #tpu.memory_space<hbm>>) dst(%arg9 : memref<125x80xi32, #tpu.memory_space<vmem>>)
      tpu.yield
    }) : () -> ()
    %run_scoped3A_7 = arith.constant 1 : i32
    "tpu.region"() ({
      %run_scoped3A_48 = tpu.sem_alloc : memref<!tpu.dma_semaphore, #tpu.memory_space<semaphore_mem>>
      %dma_start3A_49 = arith.constant 0 : i32
      %dma_start3A_50 = arith.constant 0 : i32
      %dma_start3A_51 = tpu.memref_slice %arg3[%run_scoped3A_7, %add3A, %dma_start3A_49, %dma_start3A_50] : memref<2x32x125x80xi32, #tpu.memory_space<hbm>> -> memref<1x1x125x80xi32, #tpu.memory_space<hbm>>
      %dma_start3A_52 = tpu.memref_squeeze %dma_start3A_51 : memref<1x1x125x80xi32, #tpu.memory_space<hbm>> -> memref<125x80xi32, #tpu.memory_space<hbm>>
      %dma_start3A_53 = arith.constant 0 : i32
      %dma_start3A_54 = arith.constant 0 : i32
      %dma_start3A_55 = tpu.memref_slice %arg3[%run_scoped3A_7, %add3A, %dma_start3A_53, %dma_start3A_54] : memref<2x32x125x80xi32, #tpu.memory_space<hbm>> -> memref<1x1x125x80xi32, #tpu.memory_space<hbm>>
      %dma_start3A_56 = tpu.memref_squeeze %dma_start3A_55 : memref<1x1x125x80xi32, #tpu.memory_space<hbm>> -> memref<125x80xi32, #tpu.memory_space<hbm>>
      tpu.enqueue_dma source(%dma_start3A_56 : memref<125x80xi32, #tpu.memory_space<hbm>>) target(%arg10 : memref<125x80xi32, #tpu.memory_space<vmem>>) target_semaphore(%run_scoped3A_48 : memref<!tpu.dma_semaphore, #tpu.memory_space<semaphore_mem>>)
      %dma_wait3A = arith.constant 0 : i32
      %dma_wait3A_57 = arith.constant 0 : i32
      %dma_wait3A_58 = tpu.memref_slice %arg3[%run_scoped3A_7, %add3A, %dma_wait3A, %dma_wait3A_57] : memref<2x32x125x80xi32, #tpu.memory_space<hbm>> -> memref<1x1x125x80xi32, #tpu.memory_space<hbm>>
      %dma_wait3A_59 = tpu.memref_squeeze %dma_wait3A_58 : memref<1x1x125x80xi32, #tpu.memory_space<hbm>> -> memref<125x80xi32, #tpu.memory_space<hbm>>
      %dma_wait3A_60 = arith.constant 0 : i32
      %dma_wait3A_61 = arith.constant 0 : i32
      %dma_wait3A_62 = tpu.memref_slice %arg3[%run_scoped3A_7, %add3A, %dma_wait3A_60, %dma_wait3A_61] : memref<2x32x125x80xi32, #tpu.memory_space<hbm>> -> memref<1x1x125x80xi32, #tpu.memory_space<hbm>>
      %dma_wait3A_63 = tpu.memref_squeeze %dma_wait3A_62 : memref<1x1x125x80xi32, #tpu.memory_space<hbm>> -> memref<125x80xi32, #tpu.memory_space<hbm>>
      tpu.wait_dma2 semaphore(%run_scoped3A_48 : memref<!tpu.dma_semaphore, #tpu.memory_space<semaphore_mem>>) src(%dma_wait3A_63 : memref<125x80xi32, #tpu.memory_space<hbm>>) dst(%arg10 : memref<125x80xi32, #tpu.memory_space<vmem>>)
      tpu.yield
    }) : () -> ()
    "tpu.region"() ({
      %run_scoped3A_48 = tpu.sem_alloc : memref<!tpu.dma_semaphore, #tpu.memory_space<semaphore_mem>>
      tpu.enqueue_dma source(%arg6 : memref<80x16xf32, #tpu.memory_space<hbm>>) target(%arg16 : memref<80x16xf32, #tpu.memory_space<vmem>>) target_semaphore(%run_scoped3A_48 : memref<!tpu.dma_semaphore, #tpu.memory_space<semaphore_mem>>)
      tpu.wait_dma2 semaphore(%run_scoped3A_48 : memref<!tpu.dma_semaphore, #tpu.memory_space<semaphore_mem>>) src(%arg6 : memref<80x16xf32, #tpu.memory_space<hbm>>) dst(%arg16 : memref<80x16xf32, #tpu.memory_space<vmem>>)
      tpu.yield
    }) : () -> ()
    %barrier3A = arith.constant 0 : index
    tpu.barrier barrier_id(%barrier3A)
    %dma_start3A = arith.constant 0 : i32
    %dma_start3A_8 = arith.constant 0 : i32
    %dma_start3A_9 = tpu.memref_slice %arg9[%dma_start3A, %dma_start3A_8] : memref<125x80xi32, #tpu.memory_space<vmem>> -> memref<1x80xi32, #tpu.memory_space<vmem>>
    %dma_start3A_10 = tpu.memref_squeeze %dma_start3A_9 : memref<1x80xi32, #tpu.memory_space<vmem>> -> memref<80xi32, #tpu.memory_space<vmem>>
    %dma_start3A_11 = arith.constant 0 : i32
    %dma_start3A_12 = arith.constant 0 : i32
    %dma_start3A_13 = tpu.memref_slice %arg2[%dma_start3A_11, %dma_start3A_12] : memref<10000x64xf32, #tpu.memory_space<hbm>> -> memref<10000x64xf32, #tpu.memory_space<hbm>>
    tpu.enqueue_indirect_dma source(%dma_start3A_13 : memref<10000x64xf32, #tpu.memory_space<hbm>>) target(%arg11 : memref<80x64xf32, #tpu.memory_space<vmem>>) offsets(%dma_start3A_10 : memref<80xi32, #tpu.memory_space<vmem>>) semaphore(%arg19 : memref<!tpu.dma_semaphore, #tpu.memory_space<semaphore_mem>>)
    %dma_start3A_14 = arith.constant 1 : i32
    %dma_start3A_15 = arith.constant 0 : i32
    %dma_start3A_16 = tpu.memref_slice %arg9[%dma_start3A_14, %dma_start3A_15] : memref<125x80xi32, #tpu.memory_space<vmem>> -> memref<1x80xi32, #tpu.memory_space<vmem>>
    %dma_start3A_17 = tpu.memref_squeeze %dma_start3A_16 : memref<1x80xi32, #tpu.memory_space<vmem>> -> memref<80xi32, #tpu.memory_space<vmem>>
    %dma_start3A_18 = arith.constant 0 : i32
    %dma_start3A_19 = arith.constant 0 : i32
    %dma_start3A_20 = tpu.memref_slice %arg2[%dma_start3A_18, %dma_start3A_19] : memref<10000x64xf32, #tpu.memory_space<hbm>> -> memref<10000x64xf32, #tpu.memory_space<hbm>>
    tpu.enqueue_indirect_dma source(%dma_start3A_20 : memref<10000x64xf32, #tpu.memory_space<hbm>>) target(%arg12 : memref<80x64xf32, #tpu.memory_space<vmem>>) offsets(%dma_start3A_17 : memref<80xi32, #tpu.memory_space<vmem>>) semaphore(%arg20 : memref<!tpu.dma_semaphore, #tpu.memory_space<semaphore_mem>>)
    %dma_start3A_21 = arith.constant 2 : i32
    %dma_start3A_22 = arith.constant 0 : i32
    %dma_start3A_23 = tpu.memref_slice %arg9[%dma_start3A_21, %dma_start3A_22] : memref<125x80xi32, #tpu.memory_space<vmem>> -> memref<1x80xi32, #tpu.memory_space<vmem>>
    %dma_start3A_24 = tpu.memref_squeeze %dma_start3A_23 : memref<1x80xi32, #tpu.memory_space<vmem>> -> memref<80xi32, #tpu.memory_space<vmem>>
    %dma_start3A_25 = arith.constant 0 : i32
    %dma_start3A_26 = arith.constant 0 : i32
    %dma_start3A_27 = tpu.memref_slice %arg2[%dma_start3A_25, %dma_start3A_26] : memref<10000x64xf32, #tpu.memory_space<hbm>> -> memref<10000x64xf32, #tpu.memory_space<hbm>>
    tpu.enqueue_indirect_dma source(%dma_start3A_27 : memref<10000x64xf32, #tpu.memory_space<hbm>>) target(%arg13 : memref<80x64xf32, #tpu.memory_space<vmem>>) offsets(%dma_start3A_24 : memref<80xi32, #tpu.memory_space<vmem>>) semaphore(%arg21 : memref<!tpu.dma_semaphore, #tpu.memory_space<semaphore_mem>>)
    %dma_start3A_28 = arith.constant 3 : i32
    %dma_start3A_29 = arith.constant 0 : i32
    %dma_start3A_30 = tpu.memref_slice %arg9[%dma_start3A_28, %dma_start3A_29] : memref<125x80xi32, #tpu.memory_space<vmem>> -> memref<1x80xi32, #tpu.memory_space<vmem>>
    %dma_start3A_31 = tpu.memref_squeeze %dma_start3A_30 : memref<1x80xi32, #tpu.memory_space<vmem>> -> memref<80xi32, #tpu.memory_space<vmem>>
    %dma_start3A_32 = arith.constant 0 : i32
    %dma_start3A_33 = arith.constant 0 : i32
    %dma_start3A_34 = tpu.memref_slice %arg2[%dma_start3A_32, %dma_start3A_33] : memref<10000x64xf32, #tpu.memory_space<hbm>> -> memref<10000x64xf32, #tpu.memory_space<hbm>>
    tpu.enqueue_indirect_dma source(%dma_start3A_34 : memref<10000x64xf32, #tpu.memory_space<hbm>>) target(%arg14 : memref<80x64xf32, #tpu.memory_space<vmem>>) offsets(%dma_start3A_31 : memref<80xi32, #tpu.memory_space<vmem>>) semaphore(%arg22 : memref<!tpu.dma_semaphore, #tpu.memory_space<semaphore_mem>>)
    %dma_start3A_35 = arith.constant 4 : i32
    %dma_start3A_36 = arith.constant 0 : i32
    %dma_start3A_37 = tpu.memref_slice %arg9[%dma_start3A_35, %dma_start3A_36] : memref<125x80xi32, #tpu.memory_space<vmem>> -> memref<1x80xi32, #tpu.memory_space<vmem>>
    %dma_start3A_38 = tpu.memref_squeeze %dma_start3A_37 : memref<1x80xi32, #tpu.memory_space<vmem>> -> memref<80xi32, #tpu.memory_space<vmem>>
    %dma_start3A_39 = arith.constant 0 : i32
    %dma_start3A_40 = arith.constant 0 : i32
    %dma_start3A_41 = tpu.memref_slice %arg2[%dma_start3A_39, %dma_start3A_40] : memref<10000x64xf32, #tpu.memory_space<hbm>> -> memref<10000x64xf32, #tpu.memory_space<hbm>>
    tpu.enqueue_indirect_dma source(%dma_start3A_41 : memref<10000x64xf32, #tpu.memory_space<hbm>>) target(%arg15 : memref<80x64xf32, #tpu.memory_space<vmem>>) offsets(%dma_start3A_38 : memref<80xi32, #tpu.memory_space<vmem>>) semaphore(%arg23 : memref<!tpu.dma_semaphore, #tpu.memory_space<semaphore_mem>>)
    %scan3A = arith.constant 0 : i32
    %scan3A_42 = arith.constant 0 : i32
    %scan3A_43 = arith.constant 25 : i32
    %scan3A_44 = arith.addi %scan3A_42, %scan3A_43 : i32
    %scan3A_45 = arith.constant 1 : i32
    scf.for %scan3A_48 = %scan3A_42 to %scan3A_44 step %scan3A_45  : i32 {
      %mul3A_49 = arith.constant 5 : i32
      %mul3A_50 = arith.muli %mul3A_49, %scan3A_48 : i32
      %add3A_51 = arith.constant 0 : i32
      %add3A_52 = arith.addi %mul3A_50, %add3A_51 : i32
      %dma_wait3A = arith.constant 0 : i32
      %dma_wait3A_53 = tpu.memref_slice %arg9[%add3A_52, %dma_wait3A] : memref<125x80xi32, #tpu.memory_space<vmem>> -> memref<1x80xi32, #tpu.memory_space<vmem>>
      %dma_wait3A_54 = tpu.memref_squeeze %dma_wait3A_53 : memref<1x80xi32, #tpu.memory_space<vmem>> -> memref<80xi32, #tpu.memory_space<vmem>>
      %dma_wait3A_55 = arith.constant 0 : i32
      %dma_wait3A_56 = arith.constant 0 : i32
      %dma_wait3A_57 = tpu.memref_slice %arg2[%dma_wait3A_55, %dma_wait3A_56] : memref<10000x64xf32, #tpu.memory_space<hbm>> -> memref<10000x64xf32, #tpu.memory_space<hbm>>
      tpu.wait_indirect_dma semaphore(%arg19 : memref<!tpu.dma_semaphore, #tpu.memory_space<semaphore_mem>>) src(%dma_wait3A_57 : memref<10000x64xf32, #tpu.memory_space<hbm>>) dst(%arg11 : memref<80x64xf32, #tpu.memory_space<vmem>>)
      %add3A_58 = arith.constant 0 : i32
      %add3A_59 = arith.addi %mul3A_50, %add3A_58 : i32
      %dma_start3A_60 = arith.constant 0 : i32
      %dma_start3A_61 = tpu.memref_slice %arg10[%add3A_59, %dma_start3A_60] : memref<125x80xi32, #tpu.memory_space<vmem>> -> memref<1x80xi32, #tpu.memory_space<vmem>>
      %dma_start3A_62 = tpu.memref_squeeze %dma_start3A_61 : memref<1x80xi32, #tpu.memory_space<vmem>> -> memref<80xi32, #tpu.memory_space<vmem>>
      %dma_start3A_63 = arith.constant 0 : i32
      %dma_start3A_64 = arith.constant 0 : i32
      %dma_start3A_65 = tpu.memref_slice %arg17[%dma_start3A_63, %dma_start3A_64] : memref<10000x64xf32, #tpu.memory_space<vmem_shared>> -> memref<10000x64xf32, #tpu.memory_space<vmem_shared>>
      tpu.enqueue_indirect_dma source(%arg11 : memref<80x64xf32, #tpu.memory_space<vmem>>) target(%dma_start3A_65 : memref<10000x64xf32, #tpu.memory_space<vmem_shared>>) offsets(%dma_start3A_62 : memref<80xi32, #tpu.memory_space<vmem>>) semaphore(%arg24 : memref<!tpu.dma_semaphore, #tpu.memory_space<semaphore_mem>>) {add = true}
      %add3A_66 = arith.constant 0 : i32
      %add3A_67 = arith.addi %mul3A_50, %add3A_66 : i32
      %dma_start3A_68 = arith.constant 0 : i32
      %dma_start3A_69 = tpu.memref_slice %arg10[%add3A_67, %dma_start3A_68] : memref<125x80xi32, #tpu.memory_space<vmem>> -> memref<1x80xi32, #tpu.memory_space<vmem>>
      %dma_start3A_70 = tpu.memref_squeeze %dma_start3A_69 : memref<1x80xi32, #tpu.memory_space<vmem>> -> memref<80xi32, #tpu.memory_space<vmem>>
      %dma_start3A_71 = arith.constant 0 : i32
      %dma_start3A_72 = arith.constant 0 : i32
      %dma_start3A_73 = tpu.memref_slice %arg18[%dma_start3A_71, %dma_start3A_72] : memref<10000x16xf32, #tpu.memory_space<vmem_shared>> -> memref<10000x16xf32, #tpu.memory_space<vmem_shared>>
      tpu.enqueue_indirect_dma source(%arg16 : memref<80x16xf32, #tpu.memory_space<vmem>>) target(%dma_start3A_73 : memref<10000x16xf32, #tpu.memory_space<vmem_shared>>) offsets(%dma_start3A_70 : memref<80xi32, #tpu.memory_space<vmem>>) semaphore(%arg29 : memref<!tpu.dma_semaphore, #tpu.memory_space<semaphore_mem>>) {add = true}
      %add3A_74 = arith.constant 1 : i32
      %add3A_75 = arith.addi %mul3A_50, %add3A_74 : i32
      %dma_wait3A_76 = arith.constant 0 : i32
      %dma_wait3A_77 = tpu.memref_slice %arg9[%add3A_75, %dma_wait3A_76] : memref<125x80xi32, #tpu.memory_space<vmem>> -> memref<1x80xi32, #tpu.memory_space<vmem>>
      %dma_wait3A_78 = tpu.memref_squeeze %dma_wait3A_77 : memref<1x80xi32, #tpu.memory_space<vmem>> -> memref<80xi32, #tpu.memory_space<vmem>>
      %dma_wait3A_79 = arith.constant 0 : i32
      %dma_wait3A_80 = arith.constant 0 : i32
      %dma_wait3A_81 = tpu.memref_slice %arg2[%dma_wait3A_79, %dma_wait3A_80] : memref<10000x64xf32, #tpu.memory_space<hbm>> -> memref<10000x64xf32, #tpu.memory_space<hbm>>
      tpu.wait_indirect_dma semaphore(%arg20 : memref<!tpu.dma_semaphore, #tpu.memory_space<semaphore_mem>>) src(%dma_wait3A_81 : memref<10000x64xf32, #tpu.memory_space<hbm>>) dst(%arg12 : memref<80x64xf32, #tpu.memory_space<vmem>>)
      %add3A_82 = arith.constant 1 : i32
      %add3A_83 = arith.addi %mul3A_50, %add3A_82 : i32
      %dma_start3A_84 = arith.constant 0 : i32
      %dma_start3A_85 = tpu.memref_slice %arg10[%add3A_83, %dma_start3A_84] : memref<125x80xi32, #tpu.memory_space<vmem>> -> memref<1x80xi32, #tpu.memory_space<vmem>>
      %dma_start3A_86 = tpu.memref_squeeze %dma_start3A_85 : memref<1x80xi32, #tpu.memory_space<vmem>> -> memref<80xi32, #tpu.memory_space<vmem>>
      %dma_start3A_87 = arith.constant 0 : i32
      %dma_start3A_88 = arith.constant 0 : i32
      %dma_start3A_89 = tpu.memref_slice %arg17[%dma_start3A_87, %dma_start3A_88] : memref<10000x64xf32, #tpu.memory_space<vmem_shared>> -> memref<10000x64xf32, #tpu.memory_space<vmem_shared>>
      tpu.enqueue_indirect_dma source(%arg12 : memref<80x64xf32, #tpu.memory_space<vmem>>) target(%dma_start3A_89 : memref<10000x64xf32, #tpu.memory_space<vmem_shared>>) offsets(%dma_start3A_86 : memref<80xi32, #tpu.memory_space<vmem>>) semaphore(%arg25 : memref<!tpu.dma_semaphore, #tpu.memory_space<semaphore_mem>>) {add = true}
      %add3A_90 = arith.constant 1 : i32
      %add3A_91 = arith.addi %mul3A_50, %add3A_90 : i32
      %dma_start3A_92 = arith.constant 0 : i32
      %dma_start3A_93 = tpu.memref_slice %arg10[%add3A_91, %dma_start3A_92] : memref<125x80xi32, #tpu.memory_space<vmem>> -> memref<1x80xi32, #tpu.memory_space<vmem>>
      %dma_start3A_94 = tpu.memref_squeeze %dma_start3A_93 : memref<1x80xi32, #tpu.memory_space<vmem>> -> memref<80xi32, #tpu.memory_space<vmem>>
      %dma_start3A_95 = arith.constant 0 : i32
      %dma_start3A_96 = arith.constant 0 : i32
      %dma_start3A_97 = tpu.memref_slice %arg18[%dma_start3A_95, %dma_start3A_96] : memref<10000x16xf32, #tpu.memory_space<vmem_shared>> -> memref<10000x16xf32, #tpu.memory_space<vmem_shared>>
      tpu.enqueue_indirect_dma source(%arg16 : memref<80x16xf32, #tpu.memory_space<vmem>>) target(%dma_start3A_97 : memref<10000x16xf32, #tpu.memory_space<vmem_shared>>) offsets(%dma_start3A_94 : memref<80xi32, #tpu.memory_space<vmem>>) semaphore(%arg29 : memref<!tpu.dma_semaphore, #tpu.memory_space<semaphore_mem>>) {add = true}
      %add3A_98 = arith.constant 2 : i32
      %add3A_99 = arith.addi %mul3A_50, %add3A_98 : i32
      %dma_wait3A_100 = arith.constant 0 : i32
      %dma_wait3A_101 = tpu.memref_slice %arg9[%add3A_99, %dma_wait3A_100] : memref<125x80xi32, #tpu.memory_space<vmem>> -> memref<1x80xi32, #tpu.memory_space<vmem>>
      %dma_wait3A_102 = tpu.memref_squeeze %dma_wait3A_101 : memref<1x80xi32, #tpu.memory_space<vmem>> -> memref<80xi32, #tpu.memory_space<vmem>>
      %dma_wait3A_103 = arith.constant 0 : i32
      %dma_wait3A_104 = arith.constant 0 : i32
      %dma_wait3A_105 = tpu.memref_slice %arg2[%dma_wait3A_103, %dma_wait3A_104] : memref<10000x64xf32, #tpu.memory_space<hbm>> -> memref<10000x64xf32, #tpu.memory_space<hbm>>
      tpu.wait_indirect_dma semaphore(%arg21 : memref<!tpu.dma_semaphore, #tpu.memory_space<semaphore_mem>>) src(%dma_wait3A_105 : memref<10000x64xf32, #tpu.memory_space<hbm>>) dst(%arg13 : memref<80x64xf32, #tpu.memory_space<vmem>>)
      %add3A_106 = arith.constant 2 : i32
      %add3A_107 = arith.addi %mul3A_50, %add3A_106 : i32
      %dma_start3A_108 = arith.constant 0 : i32
      %dma_start3A_109 = tpu.memref_slice %arg10[%add3A_107, %dma_start3A_108] : memref<125x80xi32, #tpu.memory_space<vmem>> -> memref<1x80xi32, #tpu.memory_space<vmem>>
      %dma_start3A_110 = tpu.memref_squeeze %dma_start3A_109 : memref<1x80xi32, #tpu.memory_space<vmem>> -> memref<80xi32, #tpu.memory_space<vmem>>
      %dma_start3A_111 = arith.constant 0 : i32
      %dma_start3A_112 = arith.constant 0 : i32
      %dma_start3A_113 = tpu.memref_slice %arg17[%dma_start3A_111, %dma_start3A_112] : memref<10000x64xf32, #tpu.memory_space<vmem_shared>> -> memref<10000x64xf32, #tpu.memory_space<vmem_shared>>
      tpu.enqueue_indirect_dma source(%arg13 : memref<80x64xf32, #tpu.memory_space<vmem>>) target(%dma_start3A_113 : memref<10000x64xf32, #tpu.memory_space<vmem_shared>>) offsets(%dma_start3A_110 : memref<80xi32, #tpu.memory_space<vmem>>) semaphore(%arg26 : memref<!tpu.dma_semaphore, #tpu.memory_space<semaphore_mem>>) {add = true}
      %add3A_114 = arith.constant 2 : i32
      %add3A_115 = arith.addi %mul3A_50, %add3A_114 : i32
      %dma_start3A_116 = arith.constant 0 : i32
      %dma_start3A_117 = tpu.memref_slice %arg10[%add3A_115, %dma_start3A_116] : memref<125x80xi32, #tpu.memory_space<vmem>> -> memref<1x80xi32, #tpu.memory_space<vmem>>
      %dma_start3A_118 = tpu.memref_squeeze %dma_start3A_117 : memref<1x80xi32, #tpu.memory_space<vmem>> -> memref<80xi32, #tpu.memory_space<vmem>>
      %dma_start3A_119 = arith.constant 0 : i32
      %dma_start3A_120 = arith.constant 0 : i32
      %dma_start3A_121 = tpu.memref_slice %arg18[%dma_start3A_119, %dma_start3A_120] : memref<10000x16xf32, #tpu.memory_space<vmem_shared>> -> memref<10000x16xf32, #tpu.memory_space<vmem_shared>>
      tpu.enqueue_indirect_dma source(%arg16 : memref<80x16xf32, #tpu.memory_space<vmem>>) target(%dma_start3A_121 : memref<10000x16xf32, #tpu.memory_space<vmem_shared>>) offsets(%dma_start3A_118 : memref<80xi32, #tpu.memory_space<vmem>>) semaphore(%arg29 : memref<!tpu.dma_semaphore, #tpu.memory_space<semaphore_mem>>) {add = true}
      %add3A_122 = arith.constant 3 : i32
      %add3A_123 = arith.addi %mul3A_50, %add3A_122 : i32
      %dma_wait3A_124 = arith.constant 0 : i32
      %dma_wait3A_125 = tpu.memref_slice %arg9[%add3A_123, %dma_wait3A_124] : memref<125x80xi32, #tpu.memory_space<vmem>> -> memref<1x80xi32, #tpu.memory_space<vmem>>
      %dma_wait3A_126 = tpu.memref_squeeze %dma_wait3A_125 : memref<1x80xi32, #tpu.memory_space<vmem>> -> memref<80xi32, #tpu.memory_space<vmem>>
      %dma_wait3A_127 = arith.constant 0 : i32
      %dma_wait3A_128 = arith.constant 0 : i32
      %dma_wait3A_129 = tpu.memref_slice %arg2[%dma_wait3A_127, %dma_wait3A_128] : memref<10000x64xf32, #tpu.memory_space<hbm>> -> memref<10000x64xf32, #tpu.memory_space<hbm>>
      tpu.wait_indirect_dma semaphore(%arg22 : memref<!tpu.dma_semaphore, #tpu.memory_space<semaphore_mem>>) src(%dma_wait3A_129 : memref<10000x64xf32, #tpu.memory_space<hbm>>) dst(%arg14 : memref<80x64xf32, #tpu.memory_space<vmem>>)
      %add3A_130 = arith.constant 3 : i32
      %add3A_131 = arith.addi %mul3A_50, %add3A_130 : i32
      %dma_start3A_132 = arith.constant 0 : i32
      %dma_start3A_133 = tpu.memref_slice %arg10[%add3A_131, %dma_start3A_132] : memref<125x80xi32, #tpu.memory_space<vmem>> -> memref<1x80xi32, #tpu.memory_space<vmem>>
      %dma_start3A_134 = tpu.memref_squeeze %dma_start3A_133 : memref<1x80xi32, #tpu.memory_space<vmem>> -> memref<80xi32, #tpu.memory_space<vmem>>
      %dma_start3A_135 = arith.constant 0 : i32
      %dma_start3A_136 = arith.constant 0 : i32
      %dma_start3A_137 = tpu.memref_slice %arg17[%dma_start3A_135, %dma_start3A_136] : memref<10000x64xf32, #tpu.memory_space<vmem_shared>> -> memref<10000x64xf32, #tpu.memory_space<vmem_shared>>
      tpu.enqueue_indirect_dma source(%arg14 : memref<80x64xf32, #tpu.memory_space<vmem>>) target(%dma_start3A_137 : memref<10000x64xf32, #tpu.memory_space<vmem_shared>>) offsets(%dma_start3A_134 : memref<80xi32, #tpu.memory_space<vmem>>) semaphore(%arg27 : memref<!tpu.dma_semaphore, #tpu.memory_space<semaphore_mem>>) {add = true}
      %add3A_138 = arith.constant 3 : i32
      %add3A_139 = arith.addi %mul3A_50, %add3A_138 : i32
      %dma_start3A_140 = arith.constant 0 : i32
      %dma_start3A_141 = tpu.memref_slice %arg10[%add3A_139, %dma_start3A_140] : memref<125x80xi32, #tpu.memory_space<vmem>> -> memref<1x80xi32, #tpu.memory_space<vmem>>
      %dma_start3A_142 = tpu.memref_squeeze %dma_start3A_141 : memref<1x80xi32, #tpu.memory_space<vmem>> -> memref<80xi32, #tpu.memory_space<vmem>>
      %dma_start3A_143 = arith.constant 0 : i32
      %dma_start3A_144 = arith.constant 0 : i32
      %dma_start3A_145 = tpu.memref_slice %arg18[%dma_start3A_143, %dma_start3A_144] : memref<10000x16xf32, #tpu.memory_space<vmem_shared>> -> memref<10000x16xf32, #tpu.memory_space<vmem_shared>>
      tpu.enqueue_indirect_dma source(%arg16 : memref<80x16xf32, #tpu.memory_space<vmem>>) target(%dma_start3A_145 : memref<10000x16xf32, #tpu.memory_space<vmem_shared>>) offsets(%dma_start3A_142 : memref<80xi32, #tpu.memory_space<vmem>>) semaphore(%arg29 : memref<!tpu.dma_semaphore, #tpu.memory_space<semaphore_mem>>) {add = true}
      %add3A_146 = arith.constant 4 : i32
      %add3A_147 = arith.addi %mul3A_50, %add3A_146 : i32
      %dma_wait3A_148 = arith.constant 0 : i32
      %dma_wait3A_149 = tpu.memref_slice %arg9[%add3A_147, %dma_wait3A_148] : memref<125x80xi32, #tpu.memory_space<vmem>> -> memref<1x80xi32, #tpu.memory_space<vmem>>
      %dma_wait3A_150 = tpu.memref_squeeze %dma_wait3A_149 : memref<1x80xi32, #tpu.memory_space<vmem>> -> memref<80xi32, #tpu.memory_space<vmem>>
      %dma_wait3A_151 = arith.constant 0 : i32
      %dma_wait3A_152 = arith.constant 0 : i32
      %dma_wait3A_153 = tpu.memref_slice %arg2[%dma_wait3A_151, %dma_wait3A_152] : memref<10000x64xf32, #tpu.memory_space<hbm>> -> memref<10000x64xf32, #tpu.memory_space<hbm>>
      tpu.wait_indirect_dma semaphore(%arg23 : memref<!tpu.dma_semaphore, #tpu.memory_space<semaphore_mem>>) src(%dma_wait3A_153 : memref<10000x64xf32, #tpu.memory_space<hbm>>) dst(%arg15 : memref<80x64xf32, #tpu.memory_space<vmem>>)
      %add3A_154 = arith.constant 4 : i32
      %add3A_155 = arith.addi %mul3A_50, %add3A_154 : i32
      %dma_start3A_156 = arith.constant 0 : i32
      %dma_start3A_157 = tpu.memref_slice %arg10[%add3A_155, %dma_start3A_156] : memref<125x80xi32, #tpu.memory_space<vmem>> -> memref<1x80xi32, #tpu.memory_space<vmem>>
      %dma_start3A_158 = tpu.memref_squeeze %dma_start3A_157 : memref<1x80xi32, #tpu.memory_space<vmem>> -> memref<80xi32, #tpu.memory_space<vmem>>
      %dma_start3A_159 = arith.constant 0 : i32
      %dma_start3A_160 = arith.constant 0 : i32
      %dma_start3A_161 = tpu.memref_slice %arg17[%dma_start3A_159, %dma_start3A_160] : memref<10000x64xf32, #tpu.memory_space<vmem_shared>> -> memref<10000x64xf32, #tpu.memory_space<vmem_shared>>
      tpu.enqueue_indirect_dma source(%arg15 : memref<80x64xf32, #tpu.memory_space<vmem>>) target(%dma_start3A_161 : memref<10000x64xf32, #tpu.memory_space<vmem_shared>>) offsets(%dma_start3A_158 : memref<80xi32, #tpu.memory_space<vmem>>) semaphore(%arg28 : memref<!tpu.dma_semaphore, #tpu.memory_space<semaphore_mem>>) {add = true}
      %add3A_162 = arith.constant 4 : i32
      %add3A_163 = arith.addi %mul3A_50, %add3A_162 : i32
      %dma_start3A_164 = arith.constant 0 : i32
      %dma_start3A_165 = tpu.memref_slice %arg10[%add3A_163, %dma_start3A_164] : memref<125x80xi32, #tpu.memory_space<vmem>> -> memref<1x80xi32, #tpu.memory_space<vmem>>
      %dma_start3A_166 = tpu.memref_squeeze %dma_start3A_165 : memref<1x80xi32, #tpu.memory_space<vmem>> -> memref<80xi32, #tpu.memory_space<vmem>>
      %dma_start3A_167 = arith.constant 0 : i32
      %dma_start3A_168 = arith.constant 0 : i32
      %dma_start3A_169 = tpu.memref_slice %arg18[%dma_start3A_167, %dma_start3A_168] : memref<10000x16xf32, #tpu.memory_space<vmem_shared>> -> memref<10000x16xf32, #tpu.memory_space<vmem_shared>>
      tpu.enqueue_indirect_dma source(%arg16 : memref<80x16xf32, #tpu.memory_space<vmem>>) target(%dma_start3A_169 : memref<10000x16xf32, #tpu.memory_space<vmem_shared>>) offsets(%dma_start3A_166 : memref<80xi32, #tpu.memory_space<vmem>>) semaphore(%arg29 : memref<!tpu.dma_semaphore, #tpu.memory_space<semaphore_mem>>) {add = true}
      %add3A_170 = arith.constant 0 : i32
      %add3A_171 = arith.addi %mul3A_50, %add3A_170 : i32
      %dma_wait3A_172 = arith.constant 0 : i32
      %dma_wait3A_173 = tpu.memref_slice %arg10[%add3A_171, %dma_wait3A_172] : memref<125x80xi32, #tpu.memory_space<vmem>> -> memref<1x80xi32, #tpu.memory_space<vmem>>
      %dma_wait3A_174 = tpu.memref_squeeze %dma_wait3A_173 : memref<1x80xi32, #tpu.memory_space<vmem>> -> memref<80xi32, #tpu.memory_space<vmem>>
      %dma_wait3A_175 = arith.constant 0 : i32
      %dma_wait3A_176 = arith.constant 0 : i32
      %dma_wait3A_177 = tpu.memref_slice %arg17[%dma_wait3A_175, %dma_wait3A_176] : memref<10000x64xf32, #tpu.memory_space<vmem_shared>> -> memref<10000x64xf32, #tpu.memory_space<vmem_shared>>
      tpu.wait_indirect_dma semaphore(%arg24 : memref<!tpu.dma_semaphore, #tpu.memory_space<semaphore_mem>>) src(%arg11 : memref<80x64xf32, #tpu.memory_space<vmem>>) dst(%dma_wait3A_177 : memref<10000x64xf32, #tpu.memory_space<vmem_shared>>)
      %add3A_178 = arith.constant 0 : i32
      %add3A_179 = arith.addi %mul3A_50, %add3A_178 : i32
      %dma_wait3A_180 = arith.constant 0 : i32
      %dma_wait3A_181 = tpu.memref_slice %arg10[%add3A_179, %dma_wait3A_180] : memref<125x80xi32, #tpu.memory_space<vmem>> -> memref<1x80xi32, #tpu.memory_space<vmem>>
      %dma_wait3A_182 = tpu.memref_squeeze %dma_wait3A_181 : memref<1x80xi32, #tpu.memory_space<vmem>> -> memref<80xi32, #tpu.memory_space<vmem>>
      %dma_wait3A_183 = arith.constant 0 : i32
      %dma_wait3A_184 = arith.constant 0 : i32
      %dma_wait3A_185 = tpu.memref_slice %arg18[%dma_wait3A_183, %dma_wait3A_184] : memref<10000x16xf32, #tpu.memory_space<vmem_shared>> -> memref<10000x16xf32, #tpu.memory_space<vmem_shared>>
      tpu.wait_indirect_dma semaphore(%arg29 : memref<!tpu.dma_semaphore, #tpu.memory_space<semaphore_mem>>) src(%arg16 : memref<80x16xf32, #tpu.memory_space<vmem>>) dst(%dma_wait3A_185 : memref<10000x16xf32, #tpu.memory_space<vmem_shared>>)
      %add3A_186 = arith.constant 5 : i32
      %add3A_187 = arith.addi %mul3A_50, %add3A_186 : i32
      %add3A_188 = arith.constant 0 : i32
      %add3A_189 = arith.addi %add3A_187, %add3A_188 : i32
      %lt3A = arith.constant 125 : i32
      %lt3A_190 = arith.cmpi slt, %add3A_189, %lt3A : i32
      %convert_element_type3A = arith.extui %lt3A_190 : i1 to i32
      %cond3A = arith.constant 0 : i32
      %cond3A_191 = arith.cmpi ne, %convert_element_type3A, %cond3A : i32
      scf.if %cond3A_191 {
        %add3A_292 = arith.constant 5 : i32
        %add3A_293 = arith.addi %mul3A_50, %add3A_292 : i32
        %add3A_294 = arith.constant 0 : i32
        %add3A_295 = arith.addi %add3A_293, %add3A_294 : i32
        %dma_start3A_296 = arith.constant 0 : i32
        %dma_start3A_297 = tpu.memref_slice %arg9[%add3A_295, %dma_start3A_296] : memref<125x80xi32, #tpu.memory_space<vmem>> -> memref<1x80xi32, #tpu.memory_space<vmem>>
        %dma_start3A_298 = tpu.memref_squeeze %dma_start3A_297 : memref<1x80xi32, #tpu.memory_space<vmem>> -> memref<80xi32, #tpu.memory_space<vmem>>
        %dma_start3A_299 = arith.constant 0 : i32
        %dma_start3A_300 = arith.constant 0 : i32
        %dma_start3A_301 = tpu.memref_slice %arg2[%dma_start3A_299, %dma_start3A_300] : memref<10000x64xf32, #tpu.memory_space<hbm>> -> memref<10000x64xf32, #tpu.memory_space<hbm>>
        tpu.enqueue_indirect_dma source(%dma_start3A_301 : memref<10000x64xf32, #tpu.memory_space<hbm>>) target(%arg11 : memref<80x64xf32, #tpu.memory_space<vmem>>) offsets(%dma_start3A_298 : memref<80xi32, #tpu.memory_space<vmem>>) semaphore(%arg19 : memref<!tpu.dma_semaphore, #tpu.memory_space<semaphore_mem>>)
      } else {
      }
      %add3A_192 = arith.constant 1 : i32
      %add3A_193 = arith.addi %mul3A_50, %add3A_192 : i32
      %dma_wait3A_194 = arith.constant 0 : i32
      %dma_wait3A_195 = tpu.memref_slice %arg10[%add3A_193, %dma_wait3A_194] : memref<125x80xi32, #tpu.memory_space<vmem>> -> memref<1x80xi32, #tpu.memory_space<vmem>>
      %dma_wait3A_196 = tpu.memref_squeeze %dma_wait3A_195 : memref<1x80xi32, #tpu.memory_space<vmem>> -> memref<80xi32, #tpu.memory_space<vmem>>
      %dma_wait3A_197 = arith.constant 0 : i32
      %dma_wait3A_198 = arith.constant 0 : i32
      %dma_wait3A_199 = tpu.memref_slice %arg17[%dma_wait3A_197, %dma_wait3A_198] : memref<10000x64xf32, #tpu.memory_space<vmem_shared>> -> memref<10000x64xf32, #tpu.memory_space<vmem_shared>>
      tpu.wait_indirect_dma semaphore(%arg25 : memref<!tpu.dma_semaphore, #tpu.memory_space<semaphore_mem>>) src(%arg12 : memref<80x64xf32, #tpu.memory_space<vmem>>) dst(%dma_wait3A_199 : memref<10000x64xf32, #tpu.memory_space<vmem_shared>>)
      %add3A_200 = arith.constant 1 : i32
      %add3A_201 = arith.addi %mul3A_50, %add3A_200 : i32
      %dma_wait3A_202 = arith.constant 0 : i32
      %dma_wait3A_203 = tpu.memref_slice %arg10[%add3A_201, %dma_wait3A_202] : memref<125x80xi32, #tpu.memory_space<vmem>> -> memref<1x80xi32, #tpu.memory_space<vmem>>
      %dma_wait3A_204 = tpu.memref_squeeze %dma_wait3A_203 : memref<1x80xi32, #tpu.memory_space<vmem>> -> memref<80xi32, #tpu.memory_space<vmem>>
      %dma_wait3A_205 = arith.constant 0 : i32
      %dma_wait3A_206 = arith.constant 0 : i32
      %dma_wait3A_207 = tpu.memref_slice %arg18[%dma_wait3A_205, %dma_wait3A_206] : memref<10000x16xf32, #tpu.memory_space<vmem_shared>> -> memref<10000x16xf32, #tpu.memory_space<vmem_shared>>
      tpu.wait_indirect_dma semaphore(%arg29 : memref<!tpu.dma_semaphore, #tpu.memory_space<semaphore_mem>>) src(%arg16 : memref<80x16xf32, #tpu.memory_space<vmem>>) dst(%dma_wait3A_207 : memref<10000x16xf32, #tpu.memory_space<vmem_shared>>)
      %add3A_208 = arith.constant 5 : i32
      %add3A_209 = arith.addi %mul3A_50, %add3A_208 : i32
      %add3A_210 = arith.constant 1 : i32
      %add3A_211 = arith.addi %add3A_209, %add3A_210 : i32
      %lt3A_212 = arith.constant 125 : i32
      %lt3A_213 = arith.cmpi slt, %add3A_211, %lt3A_212 : i32
      %convert_element_type3A_214 = arith.extui %lt3A_213 : i1 to i32
      %cond3A_215 = arith.constant 0 : i32
      %cond3A_216 = arith.cmpi ne, %convert_element_type3A_214, %cond3A_215 : i32
      scf.if %cond3A_216 {
        %add3A_292 = arith.constant 5 : i32
        %add3A_293 = arith.addi %mul3A_50, %add3A_292 : i32
        %add3A_294 = arith.constant 1 : i32
        %add3A_295 = arith.addi %add3A_293, %add3A_294 : i32
        %dma_start3A_296 = arith.constant 0 : i32
        %dma_start3A_297 = tpu.memref_slice %arg9[%add3A_295, %dma_start3A_296] : memref<125x80xi32, #tpu.memory_space<vmem>> -> memref<1x80xi32, #tpu.memory_space<vmem>>
        %dma_start3A_298 = tpu.memref_squeeze %dma_start3A_297 : memref<1x80xi32, #tpu.memory_space<vmem>> -> memref<80xi32, #tpu.memory_space<vmem>>
        %dma_start3A_299 = arith.constant 0 : i32
        %dma_start3A_300 = arith.constant 0 : i32
        %dma_start3A_301 = tpu.memref_slice %arg2[%dma_start3A_299, %dma_start3A_300] : memref<10000x64xf32, #tpu.memory_space<hbm>> -> memref<10000x64xf32, #tpu.memory_space<hbm>>
        tpu.enqueue_indirect_dma source(%dma_start3A_301 : memref<10000x64xf32, #tpu.memory_space<hbm>>) target(%arg12 : memref<80x64xf32, #tpu.memory_space<vmem>>) offsets(%dma_start3A_298 : memref<80xi32, #tpu.memory_space<vmem>>) semaphore(%arg20 : memref<!tpu.dma_semaphore, #tpu.memory_space<semaphore_mem>>)
      } else {
      }
      %add3A_217 = arith.constant 2 : i32
      %add3A_218 = arith.addi %mul3A_50, %add3A_217 : i32
      %dma_wait3A_219 = arith.constant 0 : i32
      %dma_wait3A_220 = tpu.memref_slice %arg10[%add3A_218, %dma_wait3A_219] : memref<125x80xi32, #tpu.memory_space<vmem>> -> memref<1x80xi32, #tpu.memory_space<vmem>>
      %dma_wait3A_221 = tpu.memref_squeeze %dma_wait3A_220 : memref<1x80xi32, #tpu.memory_space<vmem>> -> memref<80xi32, #tpu.memory_space<vmem>>
      %dma_wait3A_222 = arith.constant 0 : i32
      %dma_wait3A_223 = arith.constant 0 : i32
      %dma_wait3A_224 = tpu.memref_slice %arg17[%dma_wait3A_222, %dma_wait3A_223] : memref<10000x64xf32, #tpu.memory_space<vmem_shared>> -> memref<10000x64xf32, #tpu.memory_space<vmem_shared>>
      tpu.wait_indirect_dma semaphore(%arg26 : memref<!tpu.dma_semaphore, #tpu.memory_space<semaphore_mem>>) src(%arg13 : memref<80x64xf32, #tpu.memory_space<vmem>>) dst(%dma_wait3A_224 : memref<10000x64xf32, #tpu.memory_space<vmem_shared>>)
      %add3A_225 = arith.constant 2 : i32
      %add3A_226 = arith.addi %mul3A_50, %add3A_225 : i32
      %dma_wait3A_227 = arith.constant 0 : i32
      %dma_wait3A_228 = tpu.memref_slice %arg10[%add3A_226, %dma_wait3A_227] : memref<125x80xi32, #tpu.memory_space<vmem>> -> memref<1x80xi32, #tpu.memory_space<vmem>>
      %dma_wait3A_229 = tpu.memref_squeeze %dma_wait3A_228 : memref<1x80xi32, #tpu.memory_space<vmem>> -> memref<80xi32, #tpu.memory_space<vmem>>
      %dma_wait3A_230 = arith.constant 0 : i32
      %dma_wait3A_231 = arith.constant 0 : i32
      %dma_wait3A_232 = tpu.memref_slice %arg18[%dma_wait3A_230, %dma_wait3A_231] : memref<10000x16xf32, #tpu.memory_space<vmem_shared>> -> memref<10000x16xf32, #tpu.memory_space<vmem_shared>>
      tpu.wait_indirect_dma semaphore(%arg29 : memref<!tpu.dma_semaphore, #tpu.memory_space<semaphore_mem>>) src(%arg16 : memref<80x16xf32, #tpu.memory_space<vmem>>) dst(%dma_wait3A_232 : memref<10000x16xf32, #tpu.memory_space<vmem_shared>>)
      %add3A_233 = arith.constant 5 : i32
      %add3A_234 = arith.addi %mul3A_50, %add3A_233 : i32
      %add3A_235 = arith.constant 2 : i32
      %add3A_236 = arith.addi %add3A_234, %add3A_235 : i32
      %lt3A_237 = arith.constant 125 : i32
      %lt3A_238 = arith.cmpi slt, %add3A_236, %lt3A_237 : i32
      %convert_element_type3A_239 = arith.extui %lt3A_238 : i1 to i32
      %cond3A_240 = arith.constant 0 : i32
      %cond3A_241 = arith.cmpi ne, %convert_element_type3A_239, %cond3A_240 : i32
      scf.if %cond3A_241 {
        %add3A_292 = arith.constant 5 : i32
        %add3A_293 = arith.addi %mul3A_50, %add3A_292 : i32
        %add3A_294 = arith.constant 2 : i32
        %add3A_295 = arith.addi %add3A_293, %add3A_294 : i32
        %dma_start3A_296 = arith.constant 0 : i32
        %dma_start3A_297 = tpu.memref_slice %arg9[%add3A_295, %dma_start3A_296] : memref<125x80xi32, #tpu.memory_space<vmem>> -> memref<1x80xi32, #tpu.memory_space<vmem>>
        %dma_start3A_298 = tpu.memref_squeeze %dma_start3A_297 : memref<1x80xi32, #tpu.memory_space<vmem>> -> memref<80xi32, #tpu.memory_space<vmem>>
        %dma_start3A_299 = arith.constant 0 : i32
        %dma_start3A_300 = arith.constant 0 : i32
        %dma_start3A_301 = tpu.memref_slice %arg2[%dma_start3A_299, %dma_start3A_300] : memref<10000x64xf32, #tpu.memory_space<hbm>> -> memref<10000x64xf32, #tpu.memory_space<hbm>>
        tpu.enqueue_indirect_dma source(%dma_start3A_301 : memref<10000x64xf32, #tpu.memory_space<hbm>>) target(%arg13 : memref<80x64xf32, #tpu.memory_space<vmem>>) offsets(%dma_start3A_298 : memref<80xi32, #tpu.memory_space<vmem>>) semaphore(%arg21 : memref<!tpu.dma_semaphore, #tpu.memory_space<semaphore_mem>>)
      } else {
      }
      %add3A_242 = arith.constant 3 : i32
      %add3A_243 = arith.addi %mul3A_50, %add3A_242 : i32
      %dma_wait3A_244 = arith.constant 0 : i32
      %dma_wait3A_245 = tpu.memref_slice %arg10[%add3A_243, %dma_wait3A_244] : memref<125x80xi32, #tpu.memory_space<vmem>> -> memref<1x80xi32, #tpu.memory_space<vmem>>
      %dma_wait3A_246 = tpu.memref_squeeze %dma_wait3A_245 : memref<1x80xi32, #tpu.memory_space<vmem>> -> memref<80xi32, #tpu.memory_space<vmem>>
      %dma_wait3A_247 = arith.constant 0 : i32
      %dma_wait3A_248 = arith.constant 0 : i32
      %dma_wait3A_249 = tpu.memref_slice %arg17[%dma_wait3A_247, %dma_wait3A_248] : memref<10000x64xf32, #tpu.memory_space<vmem_shared>> -> memref<10000x64xf32, #tpu.memory_space<vmem_shared>>
      tpu.wait_indirect_dma semaphore(%arg27 : memref<!tpu.dma_semaphore, #tpu.memory_space<semaphore_mem>>) src(%arg14 : memref<80x64xf32, #tpu.memory_space<vmem>>) dst(%dma_wait3A_249 : memref<10000x64xf32, #tpu.memory_space<vmem_shared>>)
      %add3A_250 = arith.constant 3 : i32
      %add3A_251 = arith.addi %mul3A_50, %add3A_250 : i32
      %dma_wait3A_252 = arith.constant 0 : i32
      %dma_wait3A_253 = tpu.memref_slice %arg10[%add3A_251, %dma_wait3A_252] : memref<125x80xi32, #tpu.memory_space<vmem>> -> memref<1x80xi32, #tpu.memory_space<vmem>>
      %dma_wait3A_254 = tpu.memref_squeeze %dma_wait3A_253 : memref<1x80xi32, #tpu.memory_space<vmem>> -> memref<80xi32, #tpu.memory_space<vmem>>
      %dma_wait3A_255 = arith.constant 0 : i32
      %dma_wait3A_256 = arith.constant 0 : i32
      %dma_wait3A_257 = tpu.memref_slice %arg18[%dma_wait3A_255, %dma_wait3A_256] : memref<10000x16xf32, #tpu.memory_space<vmem_shared>> -> memref<10000x16xf32, #tpu.memory_space<vmem_shared>>
      tpu.wait_indirect_dma semaphore(%arg29 : memref<!tpu.dma_semaphore, #tpu.memory_space<semaphore_mem>>) src(%arg16 : memref<80x16xf32, #tpu.memory_space<vmem>>) dst(%dma_wait3A_257 : memref<10000x16xf32, #tpu.memory_space<vmem_shared>>)
      %add3A_258 = arith.constant 5 : i32
      %add3A_259 = arith.addi %mul3A_50, %add3A_258 : i32
      %add3A_260 = arith.constant 3 : i32
      %add3A_261 = arith.addi %add3A_259, %add3A_260 : i32
      %lt3A_262 = arith.constant 125 : i32
      %lt3A_263 = arith.cmpi slt, %add3A_261, %lt3A_262 : i32
      %convert_element_type3A_264 = arith.extui %lt3A_263 : i1 to i32
      %cond3A_265 = arith.constant 0 : i32
      %cond3A_266 = arith.cmpi ne, %convert_element_type3A_264, %cond3A_265 : i32
      scf.if %cond3A_266 {
        %add3A_292 = arith.constant 5 : i32
        %add3A_293 = arith.addi %mul3A_50, %add3A_292 : i32
        %add3A_294 = arith.constant 3 : i32
        %add3A_295 = arith.addi %add3A_293, %add3A_294 : i32
        %dma_start3A_296 = arith.constant 0 : i32
        %dma_start3A_297 = tpu.memref_slice %arg9[%add3A_295, %dma_start3A_296] : memref<125x80xi32, #tpu.memory_space<vmem>> -> memref<1x80xi32, #tpu.memory_space<vmem>>
        %dma_start3A_298 = tpu.memref_squeeze %dma_start3A_297 : memref<1x80xi32, #tpu.memory_space<vmem>> -> memref<80xi32, #tpu.memory_space<vmem>>
        %dma_start3A_299 = arith.constant 0 : i32
        %dma_start3A_300 = arith.constant 0 : i32
        %dma_start3A_301 = tpu.memref_slice %arg2[%dma_start3A_299, %dma_start3A_300] : memref<10000x64xf32, #tpu.memory_space<hbm>> -> memref<10000x64xf32, #tpu.memory_space<hbm>>
        tpu.enqueue_indirect_dma source(%dma_start3A_301 : memref<10000x64xf32, #tpu.memory_space<hbm>>) target(%arg14 : memref<80x64xf32, #tpu.memory_space<vmem>>) offsets(%dma_start3A_298 : memref<80xi32, #tpu.memory_space<vmem>>) semaphore(%arg22 : memref<!tpu.dma_semaphore, #tpu.memory_space<semaphore_mem>>)
      } else {
      }
      %add3A_267 = arith.constant 4 : i32
      %add3A_268 = arith.addi %mul3A_50, %add3A_267 : i32
      %dma_wait3A_269 = arith.constant 0 : i32
      %dma_wait3A_270 = tpu.memref_slice %arg10[%add3A_268, %dma_wait3A_269] : memref<125x80xi32, #tpu.memory_space<vmem>> -> memref<1x80xi32, #tpu.memory_space<vmem>>
      %dma_wait3A_271 = tpu.memref_squeeze %dma_wait3A_270 : memref<1x80xi32, #tpu.memory_space<vmem>> -> memref<80xi32, #tpu.memory_space<vmem>>
      %dma_wait3A_272 = arith.constant 0 : i32
      %dma_wait3A_273 = arith.constant 0 : i32
      %dma_wait3A_274 = tpu.memref_slice %arg17[%dma_wait3A_272, %dma_wait3A_273] : memref<10000x64xf32, #tpu.memory_space<vmem_shared>> -> memref<10000x64xf32, #tpu.memory_space<vmem_shared>>
      tpu.wait_indirect_dma semaphore(%arg28 : memref<!tpu.dma_semaphore, #tpu.memory_space<semaphore_mem>>) src(%arg15 : memref<80x64xf32, #tpu.memory_space<vmem>>) dst(%dma_wait3A_274 : memref<10000x64xf32, #tpu.memory_space<vmem_shared>>)
      %add3A_275 = arith.constant 4 : i32
      %add3A_276 = arith.addi %mul3A_50, %add3A_275 : i32
      %dma_wait3A_277 = arith.constant 0 : i32
      %dma_wait3A_278 = tpu.memref_slice %arg10[%add3A_276, %dma_wait3A_277] : memref<125x80xi32, #tpu.memory_space<vmem>> -> memref<1x80xi32, #tpu.memory_space<vmem>>
      %dma_wait3A_279 = tpu.memref_squeeze %dma_wait3A_278 : memref<1x80xi32, #tpu.memory_space<vmem>> -> memref<80xi32, #tpu.memory_space<vmem>>
      %dma_wait3A_280 = arith.constant 0 : i32
      %dma_wait3A_281 = arith.constant 0 : i32
      %dma_wait3A_282 = tpu.memref_slice %arg18[%dma_wait3A_280, %dma_wait3A_281] : memref<10000x16xf32, #tpu.memory_space<vmem_shared>> -> memref<10000x16xf32, #tpu.memory_space<vmem_shared>>
      tpu.wait_indirect_dma semaphore(%arg29 : memref<!tpu.dma_semaphore, #tpu.memory_space<semaphore_mem>>) src(%arg16 : memref<80x16xf32, #tpu.memory_space<vmem>>) dst(%dma_wait3A_282 : memref<10000x16xf32, #tpu.memory_space<vmem_shared>>)
      %add3A_283 = arith.constant 5 : i32
      %add3A_284 = arith.addi %mul3A_50, %add3A_283 : i32
      %add3A_285 = arith.constant 4 : i32
      %add3A_286 = arith.addi %add3A_284, %add3A_285 : i32
      %lt3A_287 = arith.constant 125 : i32
      %lt3A_288 = arith.cmpi slt, %add3A_286, %lt3A_287 : i32
      %convert_element_type3A_289 = arith.extui %lt3A_288 : i1 to i32
      %cond3A_290 = arith.constant 0 : i32
      %cond3A_291 = arith.cmpi ne, %convert_element_type3A_289, %cond3A_290 : i32
      scf.if %cond3A_291 {
        %add3A_292 = arith.constant 5 : i32
        %add3A_293 = arith.addi %mul3A_50, %add3A_292 : i32
        %add3A_294 = arith.constant 4 : i32
        %add3A_295 = arith.addi %add3A_293, %add3A_294 : i32
        %dma_start3A_296 = arith.constant 0 : i32
        %dma_start3A_297 = tpu.memref_slice %arg9[%add3A_295, %dma_start3A_296] : memref<125x80xi32, #tpu.memory_space<vmem>> -> memref<1x80xi32, #tpu.memory_space<vmem>>
        %dma_start3A_298 = tpu.memref_squeeze %dma_start3A_297 : memref<1x80xi32, #tpu.memory_space<vmem>> -> memref<80xi32, #tpu.memory_space<vmem>>
        %dma_start3A_299 = arith.constant 0 : i32
        %dma_start3A_300 = arith.constant 0 : i32
        %dma_start3A_301 = tpu.memref_slice %arg2[%dma_start3A_299, %dma_start3A_300] : memref<10000x64xf32, #tpu.memory_space<hbm>> -> memref<10000x64xf32, #tpu.memory_space<hbm>>
        tpu.enqueue_indirect_dma source(%dma_start3A_301 : memref<10000x64xf32, #tpu.memory_space<hbm>>) target(%arg15 : memref<80x64xf32, #tpu.memory_space<vmem>>) offsets(%dma_start3A_298 : memref<80xi32, #tpu.memory_space<vmem>>) semaphore(%arg23 : memref<!tpu.dma_semaphore, #tpu.memory_space<semaphore_mem>>)
      } else {
      }
    }
    %scan3A_46 = arith.constant 25 : i32
    %barrier3A_47 = arith.constant 0 : index
    tpu.barrier barrier_id(%barrier3A_47)
    "tpu.region"() ({
      %run_scoped3A_48 = tpu.sem_alloc : memref<!tpu.dma_semaphore, #tpu.memory_space<semaphore_mem>>
      %dma_start3A_49 = arith.constant 0 : i32
      %dma_start3A_50 = tpu.memref_slice %arg7[%arg0, %mul3A_2, %dma_start3A_49] : memref<2x10000x64xf32, #tpu.memory_space<hbm>> -> memref<1x625x64xf32, #tpu.memory_space<hbm>>
      %dma_start3A_51 = tpu.memref_squeeze %dma_start3A_50 : memref<1x625x64xf32, #tpu.memory_space<hbm>> -> memref<625x64xf32, #tpu.memory_space<hbm>>
      %dma_start3A_52 = arith.constant 0 : i32
      %dma_start3A_53 = tpu.memref_slice %arg17[%mul3A_2, %dma_start3A_52] : memref<10000x64xf32, #tpu.memory_space<vmem_shared>> -> memref<625x64xf32, #tpu.memory_space<vmem_shared>>
      tpu.enqueue_dma source(%dma_start3A_53 : memref<625x64xf32, #tpu.memory_space<vmem_shared>>) target(%dma_start3A_51 : memref<625x64xf32, #tpu.memory_space<hbm>>) target_semaphore(%run_scoped3A_48 : memref<!tpu.dma_semaphore, #tpu.memory_space<semaphore_mem>>)
      %dma_wait3A = arith.constant 0 : i32
      %dma_wait3A_54 = tpu.memref_slice %arg7[%arg0, %mul3A_2, %dma_wait3A] : memref<2x10000x64xf32, #tpu.memory_space<hbm>> -> memref<1x625x64xf32, #tpu.memory_space<hbm>>
      %dma_wait3A_55 = tpu.memref_squeeze %dma_wait3A_54 : memref<1x625x64xf32, #tpu.memory_space<hbm>> -> memref<625x64xf32, #tpu.memory_space<hbm>>
      %dma_wait3A_56 = arith.constant 0 : i32
      %dma_wait3A_57 = tpu.memref_slice %arg17[%mul3A_2, %dma_wait3A_56] : memref<10000x64xf32, #tpu.memory_space<vmem_shared>> -> memref<625x64xf32, #tpu.memory_space<vmem_shared>>
      tpu.wait_dma2 semaphore(%run_scoped3A_48 : memref<!tpu.dma_semaphore, #tpu.memory_space<semaphore_mem>>) src(%dma_wait3A_57 : memref<625x64xf32, #tpu.memory_space<vmem_shared>>) dst(%dma_wait3A_55 : memref<625x64xf32, #tpu.memory_space<hbm>>)
      tpu.yield
    }) : () -> ()
    "tpu.region"() ({
      %run_scoped3A_48 = tpu.sem_alloc : memref<!tpu.dma_semaphore, #tpu.memory_space<semaphore_mem>>
      %dma_start3A_49 = arith.constant 0 : i32
      %dma_start3A_50 = tpu.memref_slice %arg8[%arg0, %mul3A_2, %dma_start3A_49] : memref<2x10000x16xf32, #tpu.memory_space<hbm>> -> memref<1x625x16xf32, #tpu.memory_space<hbm>>
      %dma_start3A_51 = tpu.memref_squeeze %dma_start3A_50 : memref<1x625x16xf32, #tpu.memory_space<hbm>> -> memref<625x16xf32, #tpu.memory_space<hbm>>
      %dma_start3A_52 = arith.constant 0 : i32
      %dma_start3A_53 = tpu.memref_slice %arg18[%mul3A_2, %dma_start3A_52] : memref<10000x16xf32, #tpu.memory_space<vmem_shared>> -> memref<625x16xf32, #tpu.memory_space<vmem_shared>>
      tpu.enqueue_dma source(%dma_start3A_53 : memref<625x16xf32, #tpu.memory_space<vmem_shared>>) target(%dma_start3A_51 : memref<625x16xf32, #tpu.memory_space<hbm>>) target_semaphore(%run_scoped3A_48 : memref<!tpu.dma_semaphore, #tpu.memory_space<semaphore_mem>>)
      %dma_wait3A = arith.constant 0 : i32
      %dma_wait3A_54 = tpu.memref_slice %arg8[%arg0, %mul3A_2, %dma_wait3A] : memref<2x10000x16xf32, #tpu.memory_space<hbm>> -> memref<1x625x16xf32, #tpu.memory_space<hbm>>
      %dma_wait3A_55 = tpu.memref_squeeze %dma_wait3A_54 : memref<1x625x16xf32, #tpu.memory_space<hbm>> -> memref<625x16xf32, #tpu.memory_space<hbm>>
      %dma_wait3A_56 = arith.constant 0 : i32
      %dma_wait3A_57 = tpu.memref_slice %arg18[%mul3A_2, %dma_wait3A_56] : memref<10000x16xf32, #tpu.memory_space<vmem_shared>> -> memref<625x16xf32, #tpu.memory_space<vmem_shared>>
      tpu.wait_dma2 semaphore(%run_scoped3A_48 : memref<!tpu.dma_semaphore, #tpu.memory_space<semaphore_mem>>) src(%dma_wait3A_57 : memref<625x16xf32, #tpu.memory_space<vmem_shared>>) dst(%dma_wait3A_55 : memref<625x16xf32, #tpu.memory_space<hbm>>)
      tpu.yield
    }) : () -> ()
    return
  }
}

module attributes {stable_mosaic.version = 14 : i64} {
  func.func @_mm1_body(%arg0: i32, %arg1: memref<1000x128xf32, #tpu.memory_space<vmem>>, %arg2: memref<128x64xf32, #tpu.memory_space<vmem>>, %arg3: memref<1x64xf32, #tpu.memory_space<vmem>>, %arg4: memref<1000x64xf32, #tpu.memory_space<vmem>>) attributes {dimension_semantics = [#tpu.dimension_semantics<arbitrary>], iteration_bounds = array<i64: 10>, scalar_prefetch = 0 : i64, scratch_operands = 0 : i64, tpu.core_type = #tpu.core_type<tc>, window_params = [{transform_indices = @transform_0, window_bounds = array<i64: 1000, 128>}, {pipeline_mode = #tpu.pipeline_mode<synchronous>, transform_indices = @transform_1, window_bounds = array<i64: 128, 64>}, {pipeline_mode = #tpu.pipeline_mode<synchronous>, transform_indices = @transform_2, window_bounds = array<i64: 1, 64>}, {transform_indices = @transform_3, window_bounds = array<i64: 1000, 64>}]} {
    %get3A = arith.constant 0 : index
    %get3A_0 = arith.constant 0 : index
    %get3A_1 = vector.load %arg1[%get3A, %get3A_0] : memref<1000x128xf32, #tpu.memory_space<vmem>>, vector<1000x128xf32>
    %get3A_2 = arith.constant 0 : index
    %get3A_3 = arith.constant 0 : index
    %get3A_4 = vector.load %arg2[%get3A_2, %get3A_3] : memref<128x64xf32, #tpu.memory_space<vmem>>, vector<128x64xf32>
    %dot_general3A = arith.constant dense<0.000000e+00> : vector<1000x64xf32>
    %dot_general3A_5 = tpu.matmul %get3A_1, %get3A_4, %dot_general3A {dimension_numbers = #tpu.dot_dimension_numbers<[1], [0], [0], [1], [0, 0, 1, 1], [], []>, transpose_lhs_hint = false} : vector<1000x128xf32>, vector<128x64xf32>, vector<1000x64xf32> -> vector<1000x64xf32>
    %get3A_6 = arith.constant 0 : index
    %get3A_7 = arith.constant 0 : index
    %get3A_8 = vector.load %arg3[%get3A_6, %get3A_7] : memref<1x64xf32, #tpu.memory_space<vmem>>, vector<1x64xf32>
    %add3A = vector.broadcast %get3A_8 : vector<1x64xf32> to vector<1000x64xf32>
    %add3A_9 = arith.addf %dot_general3A_5, %add3A : vector<1000x64xf32>
    %swap3A = arith.constant 0 : index
    %swap3A_10 = arith.constant 0 : index
    %swap3A_11 = vector.load %arg4[%swap3A, %swap3A_10] : memref<1000x64xf32, #tpu.memory_space<vmem>>, vector<1000x64xf32>
    tpu.vector_store %arg4[%swap3A, %swap3A_10], %add3A_9 {strides = array<i32>} : memref<1000x64xf32, #tpu.memory_space<vmem>>, vector<1000x64xf32>,
    return
  }
  func.func @transform_0(%arg0: i32) -> (i32, i32) {
    %c0_i32 = arith.constant 0 : i32
    %c0_i32_0 = arith.constant 0 : i32
    return %arg0, %c0_i32 : i32, i32
  }
  func.func @transform_1(%arg0: i32) -> (i32, i32) {
    %c0_i32 = arith.constant 0 : i32
    %c0_i32_0 = arith.constant 0 : i32
    %c0_i32_1 = arith.constant 0 : i32
    return %c0_i32, %c0_i32_0 : i32, i32
  }
  func.func @transform_2(%arg0: i32) -> (i32, i32) {
    %c0_i32 = arith.constant 0 : i32
    %c0_i32_0 = arith.constant 0 : i32
    %c0_i32_1 = arith.constant 0 : i32
    return %c0_i32, %c0_i32_0 : i32, i32
  }
  func.func @transform_3(%arg0: i32) -> (i32, i32) {
    %c0_i32 = arith.constant 0 : i32
    %c0_i32_0 = arith.constant 0 : i32
    return %arg0, %c0_i32 : i32, i32
  }
}

module attributes {stable_mosaic.version = 14 : i64} {
  func.func @_mid_body(%arg0: i32, %arg1: memref<1x1000x64xf32, #tpu.memory_space<vmem>>, %arg2: memref<1x1000x64xf32, #tpu.memory_space<vmem>>, %arg3: memref<1x1000x16xf32, #tpu.memory_space<vmem>>, %arg4: memref<1x1000x16xf32, #tpu.memory_space<vmem>>, %arg5: memref<64x64xf32, #tpu.memory_space<vmem>>, %arg6: memref<1x64xf32, #tpu.memory_space<vmem>>, %arg7: memref<1000x64xf32, #tpu.memory_space<vmem>>) attributes {dimension_semantics = [#tpu.dimension_semantics<arbitrary>], iteration_bounds = array<i64: 10>, scalar_prefetch = 0 : i64, scratch_operands = 0 : i64, tpu.core_type = #tpu.core_type<tc>, window_params = [{transform_indices = @transform_0, window_bounds = array<i64: 1, 1000, 64>}, {transform_indices = @transform_1, window_bounds = array<i64: 1, 1000, 64>}, {transform_indices = @transform_2, window_bounds = array<i64: 1, 1000, 16>}, {transform_indices = @transform_3, window_bounds = array<i64: 1, 1000, 16>}, {pipeline_mode = #tpu.pipeline_mode<synchronous>, transform_indices = @transform_4, window_bounds = array<i64: 64, 64>}, {pipeline_mode = #tpu.pipeline_mode<synchronous>, transform_indices = @transform_5, window_bounds = array<i64: 1, 64>}, {transform_indices = @transform_6, window_bounds = array<i64: 1000, 64>}]} {
    %get3A = arith.constant 0 : index
    %get3A_0 = arith.constant 0 : index
    %get3A_1 = arith.constant 0 : index
    %get3A_2 = vector.load %arg3[%get3A, %get3A_0, %get3A_1] : memref<1x1000x16xf32, #tpu.memory_space<vmem>>, vector<1x1000x16xf32>
    %get3A_3 = vector.shape_cast %get3A_2 : vector<1x1000x16xf32> to vector<1000x16xf32>
    %slice3A = vector.extract_strided_slice %get3A_3 {offsets = [0, 0], sizes = [1000, 1], strides = [1, 1]} : vector<1000x16xf32> to vector<1000x1xf32>
    %get3A_4 = arith.constant 0 : index
    %get3A_5 = arith.constant 0 : index
    %get3A_6 = arith.constant 0 : index
    %get3A_7 = vector.load %arg4[%get3A_4, %get3A_5, %get3A_6] : memref<1x1000x16xf32, #tpu.memory_space<vmem>>, vector<1x1000x16xf32>
    %get3A_8 = vector.shape_cast %get3A_7 : vector<1x1000x16xf32> to vector<1000x16xf32>
    %slice3A_9 = vector.extract_strided_slice %get3A_8 {offsets = [0, 0], sizes = [1000, 1], strides = [1, 1]} : vector<1000x16xf32> to vector<1000x1xf32>
    %add3A = arith.addf %slice3A, %slice3A_9 : vector<1000x1xf32>
    %max3A = arith.constant 1.000000e+00 : f32
    %max3A_10 = vector.broadcast %max3A : f32 to vector<1000x1xf32>
    %max3A_11 = arith.maximumf %add3A, %max3A_10 : vector<1000x1xf32>
    %get3A_12 = arith.constant 0 : index
    %get3A_13 = arith.constant 0 : index
    %get3A_14 = arith.constant 0 : index
    %get3A_15 = vector.load %arg1[%get3A_12, %get3A_13, %get3A_14] : memref<1x1000x64xf32, #tpu.memory_space<vmem>>, vector<1x1000x64xf32>
    %get3A_16 = vector.shape_cast %get3A_15 : vector<1x1000x64xf32> to vector<1000x64xf32>
    %get3A_17 = arith.constant 0 : index
    %get3A_18 = arith.constant 0 : index
    %get3A_19 = arith.constant 0 : index
    %get3A_20 = vector.load %arg2[%get3A_17, %get3A_18, %get3A_19] : memref<1x1000x64xf32, #tpu.memory_space<vmem>>, vector<1x1000x64xf32>
    %get3A_21 = vector.shape_cast %get3A_20 : vector<1x1000x64xf32> to vector<1000x64xf32>
    %add3A_22 = arith.addf %get3A_16, %get3A_21 : vector<1000x64xf32>
    %div3A = vector.broadcast %max3A_11 : vector<1000x1xf32> to vector<1000x64xf32>
    %div3A_23 = arith.divf %add3A_22, %div3A : vector<1000x64xf32>
    %max3A_24 = arith.constant 0.000000e+00 : f32
    %max3A_25 = vector.broadcast %max3A_24 : f32 to vector<1000x64xf32>
    %max3A_26 = arith.maximumf %div3A_23, %max3A_25 : vector<1000x64xf32>
    %get3A_27 = arith.constant 0 : index
    %get3A_28 = arith.constant 0 : index
    %get3A_29 = vector.load %arg5[%get3A_27, %get3A_28] : memref<64x64xf32, #tpu.memory_space<vmem>>, vector<64x64xf32>
    %dot_general3A = arith.constant dense<0.000000e+00> : vector<1000x64xf32>
    %dot_general3A_30 = tpu.matmul %max3A_26, %get3A_29, %dot_general3A {dimension_numbers = #tpu.dot_dimension_numbers<[1], [0], [0], [1], [0, 0, 1, 1], [], []>, transpose_lhs_hint = false} : vector<1000x64xf32>, vector<64x64xf32>, vector<1000x64xf32> -> vector<1000x64xf32>
    %get3A_31 = arith.constant 0 : index
    %get3A_32 = arith.constant 0 : index
    %get3A_33 = vector.load %arg6[%get3A_31, %get3A_32] : memref<1x64xf32, #tpu.memory_space<vmem>>, vector<1x64xf32>
    %add3A_34 = vector.broadcast %get3A_33 : vector<1x64xf32> to vector<1000x64xf32>
    %add3A_35 = arith.addf %dot_general3A_30, %add3A_34 : vector<1000x64xf32>
    %swap3A = arith.constant 0 : index
    %swap3A_36 = arith.constant 0 : index
    %swap3A_37 = vector.load %arg7[%swap3A, %swap3A_36] : memref<1000x64xf32, #tpu.memory_space<vmem>>, vector<1000x64xf32>
    tpu.vector_store %arg7[%swap3A, %swap3A_36], %add3A_35 {strides = array<i32>} : memref<1000x64xf32, #tpu.memory_space<vmem>>, vector<1000x64xf32>,
    return
  }
  func.func @transform_0(%arg0: i32) -> (i32, i32, i32) {
    %c0_i32 = arith.constant 0 : i32
    %c0_i32_0 = arith.constant 0 : i32
    %c0_i32_1 = arith.constant 0 : i32
    return %c0_i32, %arg0, %c0_i32_0 : i32, i32, i32
  }
  func.func @transform_1(%arg0: i32) -> (i32, i32, i32) {
    %c1_i32 = arith.constant 1 : i32
    %c0_i32 = arith.constant 0 : i32
    %c0_i32_0 = arith.constant 0 : i32
    return %c1_i32, %arg0, %c0_i32 : i32, i32, i32
  }
  func.func @transform_2(%arg0: i32) -> (i32, i32, i32) {
    %c0_i32 = arith.constant 0 : i32
    %c0_i32_0 = arith.constant 0 : i32
    %c0_i32_1 = arith.constant 0 : i32
    return %c0_i32, %arg0, %c0_i32_0 : i32, i32, i32
  }
  func.func @transform_3(%arg0: i32) -> (i32, i32, i32) {
    %c1_i32 = arith.constant 1 : i32
    %c0_i32 = arith.constant 0 : i32
    %c0_i32_0 = arith.constant 0 : i32
    return %c1_i32, %arg0, %c0_i32 : i32, i32, i32
  }
  func.func @transform_4(%arg0: i32) -> (i32, i32) {
    %c0_i32 = arith.constant 0 : i32
    %c0_i32_0 = arith.constant 0 : i32
    %c0_i32_1 = arith.constant 0 : i32
    return %c0_i32, %c0_i32_0 : i32, i32
  }
  func.func @transform_5(%arg0: i32) -> (i32, i32) {
    %c0_i32 = arith.constant 0 : i32
    %c0_i32_0 = arith.constant 0 : i32
    %c0_i32_1 = arith.constant 0 : i32
    return %c0_i32, %c0_i32_0 : i32, i32
  }
  func.func @transform_6(%arg0: i32) -> (i32, i32) {
    %c0_i32 = arith.constant 0 : i32
    %c0_i32_0 = arith.constant 0 : i32
    return %arg0, %c0_i32 : i32, i32
  }
}

module attributes {stable_mosaic.version = 14 : i64} {
  func.func @_final_body(%arg0: i32, %arg1: memref<1x1000x64xf32, #tpu.memory_space<vmem>>, %arg2: memref<1x1000x64xf32, #tpu.memory_space<vmem>>, %arg3: memref<1x1000x16xf32, #tpu.memory_space<vmem>>, %arg4: memref<1x1000x16xf32, #tpu.memory_space<vmem>>, %arg5: memref<1000x128xf32, #tpu.memory_space<vmem>>, %arg6: memref<64x64xf32, #tpu.memory_space<vmem>>, %arg7: memref<1000x64xf32, #tpu.memory_space<vmem>>, %arg8: memref<1000x1xi32, #tpu.memory_space<vmem>>, %arg9: memref<1x1xf32, #tpu.memory_space<vmem>>, %arg10: memref<64x128xf32, #tpu.memory_space<vmem>>, %arg11: memref<10000x64xf32, #tpu.memory_space<vmem>>, %arg12: memref<10000x128xf32, #tpu.memory_space<vmem>>, %arg13: memref<1x64xf32, #tpu.memory_space<vmem>>, %arg14: memref<64x128xf32, #tpu.memory_space<vmem>>, %arg15: memref<1x64xf32, #tpu.memory_space<vmem>>, %arg16: memref<64x128xf32, #tpu.memory_space<vmem>>) attributes {dimension_semantics = [#tpu.dimension_semantics<arbitrary>], iteration_bounds = array<i64: 21>, scalar_prefetch = 0 : i64, scratch_operands = 6 : i64, tpu.core_type = #tpu.core_type<tc>, window_params = [{transform_indices = @transform_0, window_bounds = array<i64: 1, 1000, 64>}, {transform_indices = @transform_1, window_bounds = array<i64: 1, 1000, 64>}, {transform_indices = @transform_2, window_bounds = array<i64: 1, 1000, 16>}, {transform_indices = @transform_3, window_bounds = array<i64: 1, 1000, 16>}, {transform_indices = @transform_4, window_bounds = array<i64: 1000, 128>}, {pipeline_mode = #tpu.pipeline_mode<synchronous>, transform_indices = @transform_5, window_bounds = array<i64: 64, 64>}, {transform_indices = @transform_6, window_bounds = array<i64: 1000, 64>}, {transform_indices = @transform_7, window_bounds = array<i64: 1000, 1>}, {pipeline_mode = #tpu.pipeline_mode<synchronous>, transform_indices = @transform_8, window_bounds = array<i64: 1, 1>}, {pipeline_mode = #tpu.pipeline_mode<synchronous>, transform_indices = @transform_9, window_bounds = array<i64: 64, 128>}]} {
    %lt3A = arith.constant 10 : i32
    %lt3A_0 = arith.cmpi slt, %arg0, %lt3A : i32
    %convert_element_type3A = arith.extui %lt3A_0 : i1 to i32
    %cond3A = arith.constant 0 : i32
    %cond3A_1 = arith.cmpi ne, %convert_element_type3A, %cond3A : i32
    scf.if %cond3A_1 {
      %get3A = arith.constant 0 : index
      %get3A_12 = arith.constant 0 : index
      %get3A_13 = arith.constant 0 : index
      %get3A_14 = vector.load %arg3[%get3A, %get3A_12, %get3A_13] : memref<1x1000x16xf32, #tpu.memory_space<vmem>>, vector<1x1000x16xf32>
      %get3A_15 = vector.shape_cast %get3A_14 : vector<1x1000x16xf32> to vector<1000x16xf32>
      %slice3A = vector.extract_strided_slice %get3A_15 {offsets = [0, 0], sizes = [1000, 1], strides = [1, 1]} : vector<1000x16xf32> to vector<1000x1xf32>
      %get3A_16 = arith.constant 0 : index
      %get3A_17 = arith.constant 0 : index
      %get3A_18 = arith.constant 0 : index
      %get3A_19 = vector.load %arg4[%get3A_16, %get3A_17, %get3A_18] : memref<1x1000x16xf32, #tpu.memory_space<vmem>>, vector<1x1000x16xf32>
      %get3A_20 = vector.shape_cast %get3A_19 : vector<1x1000x16xf32> to vector<1000x16xf32>
      %slice3A_21 = vector.extract_strided_slice %get3A_20 {offsets = [0, 0], sizes = [1000, 1], strides = [1, 1]} : vector<1000x16xf32> to vector<1000x1xf32>
      %add3A = arith.addf %slice3A, %slice3A_21 : vector<1000x1xf32>
      %max3A = arith.constant 1.000000e+00 : f32
      %max3A_22 = vector.broadcast %max3A : f32 to vector<1000x1xf32>
      %max3A_23 = arith.maximumf %add3A, %max3A_22 : vector<1000x1xf32>
      %get3A_24 = arith.constant 0 : index
      %get3A_25 = arith.constant 0 : index
      %get3A_26 = arith.constant 0 : index
      %get3A_27 = vector.load %arg1[%get3A_24, %get3A_25, %get3A_26] : memref<1x1000x64xf32, #tpu.memory_space<vmem>>, vector<1x1000x64xf32>
      %get3A_28 = vector.shape_cast %get3A_27 : vector<1x1000x64xf32> to vector<1000x64xf32>
      %get3A_29 = arith.constant 0 : index
      %get3A_30 = arith.constant 0 : index
      %get3A_31 = arith.constant 0 : index
      %get3A_32 = vector.load %arg2[%get3A_29, %get3A_30, %get3A_31] : memref<1x1000x64xf32, #tpu.memory_space<vmem>>, vector<1x1000x64xf32>
      %get3A_33 = vector.shape_cast %get3A_32 : vector<1x1000x64xf32> to vector<1000x64xf32>
      %add3A_34 = arith.addf %get3A_28, %get3A_33 : vector<1000x64xf32>
      %div3A = vector.broadcast %max3A_23 : vector<1000x1xf32> to vector<1000x64xf32>
      %div3A_35 = arith.divf %add3A_34, %div3A : vector<1000x64xf32>
      %reduce_max3A = arith.constant dense<0xFF800000> : vector<1000xf32>
      %reduce_max3A_36 = vector.multi_reduction <maximumf>, %div3A_35, %reduce_max3A [1] : vector<1000x64xf32> to vector<1000xf32>
      %broadcast_in_dim3A = vector.shape_cast %reduce_max3A_36 : vector<1000xf32> to vector<1000x1xf32>
      %sub3A = vector.broadcast %broadcast_in_dim3A : vector<1000x1xf32> to vector<1000x64xf32>
      %sub3A_37 = arith.subf %div3A_35, %sub3A : vector<1000x64xf32>
      %exp3A = math.exp %sub3A_37 : vector<1000x64xf32>
      %reduce_sum3A = arith.constant dense<0.000000e+00> : vector<1000xf32>
      %reduce_sum3A_38 = vector.multi_reduction <add>, %exp3A, %reduce_sum3A [1] : vector<1000x64xf32> to vector<1000xf32>
      %broadcast_in_dim3A_39 = vector.shape_cast %reduce_sum3A_38 : vector<1000xf32> to vector<1000x1xf32>
      %div3A_40 = vector.broadcast %broadcast_in_dim3A_39 : vector<1000x1xf32> to vector<1000x64xf32>
      %div3A_41 = arith.divf %exp3A, %div3A_40 : vector<1000x64xf32>
      %swap3A = arith.constant 0 : index
      %swap3A_42 = arith.constant 0 : index
      %swap3A_43 = vector.load %arg7[%swap3A, %swap3A_42] : memref<1000x64xf32, #tpu.memory_space<vmem>>, vector<1000x64xf32>
      tpu.vector_store %arg7[%swap3A, %swap3A_42], %div3A_41 {strides = array<i32>} : memref<1000x64xf32, #tpu.memory_space<vmem>>, vector<1000x64xf32>,
      %mul3A = arith.constant 1000 : i32
      %mul3A_44 = arith.muli %arg0, %mul3A : i32
      %swap3A_45 = arith.index_cast %mul3A_44 : i32 to index
      %swap3A_46 = arith.constant 0 : index
      %swap3A_47 = vector.load %arg11[%swap3A_45, %swap3A_46] : memref<10000x64xf32, #tpu.memory_space<vmem>>, vector<1000x64xf32>
      tpu.vector_store %arg11[%swap3A_45, %swap3A_46], %div3A_41 {strides = array<i32>} : memref<10000x64xf32, #tpu.memory_space<vmem>>, vector<1000x64xf32>,
      %get3A_48 = arith.constant 0 : index
      %get3A_49 = arith.constant 0 : index
      %get3A_50 = vector.load %arg5[%get3A_48, %get3A_49] : memref<1000x128xf32, #tpu.memory_space<vmem>>, vector<1000x128xf32>
      %mul3A_51 = arith.constant 1000 : i32
      %mul3A_52 = arith.muli %arg0, %mul3A_51 : i32
      %swap3A_53 = arith.index_cast %mul3A_52 : i32 to index
      %swap3A_54 = arith.constant 0 : index
      %swap3A_55 = vector.load %arg12[%swap3A_53, %swap3A_54] : memref<10000x128xf32, #tpu.memory_space<vmem>>, vector<1000x128xf32>
      tpu.vector_store %arg12[%swap3A_53, %swap3A_54], %get3A_50 {strides = array<i32>} : memref<10000x128xf32, #tpu.memory_space<vmem>>, vector<1000x128xf32>,
      %iota3A = tpu.iota {dimensions = array<i32: 1>} : vector<1000x64xi32>
      %ge3A_56 = vector.broadcast %broadcast_in_dim3A : vector<1000x1xf32> to vector<1000x64xf32>
      %ge3A_57 = arith.cmpf oge, %div3A_35, %ge3A_56 : vector<1000x64xf32>
      %jit3A = arith.constant 64 : i32
      %broadcast_in_dim3A_58 = vector.broadcast %jit3A : i32 to vector<1000x64xi32>
      %select_n3A = arith.select %ge3A_57, %iota3A, %broadcast_in_dim3A_58 : vector<1000x64xi1>, vector<1000x64xi32>
      %reduce_min3A = arith.constant dense<2147483647> : vector<1000xi32>
      %reduce_min3A_59 = vector.multi_reduction <minsi>, %select_n3A, %reduce_min3A [1] : vector<1000x64xi32> to vector<1000xi32>
      %broadcast_in_dim3A_60 = vector.shape_cast %reduce_min3A_59 : vector<1000xi32> to vector<1000x1xi32>
      %swap3A_61 = arith.constant 0 : index
      %swap3A_62 = arith.constant 0 : index
      %swap3A_63 = vector.load %arg8[%swap3A_61, %swap3A_62] : memref<1000x1xi32, #tpu.memory_space<vmem>>, vector<1000x1xi32>
      tpu.vector_store %arg8[%swap3A_61, %swap3A_62], %broadcast_in_dim3A_60 {strides = array<i32>} : memref<1000x1xi32, #tpu.memory_space<vmem>>, vector<1000x1xi32>,
      %reduce_sum3A_64 = arith.constant dense<0.000000e+00> : vector<64xf32>
      %reduce_sum3A_65 = vector.multi_reduction <add>, %div3A_41, %reduce_sum3A_64 [0] : vector<1000x64xf32> to vector<64xf32>
      %broadcast_in_dim3A_66 = vector.shape_cast %reduce_sum3A_65 : vector<64xf32> to vector<1x64xf32>
      %get3A_67 = arith.constant 0 : index
      %get3A_68 = arith.constant 0 : index
      %get3A_69 = vector.load %arg5[%get3A_67, %get3A_68] : memref<1000x128xf32, #tpu.memory_space<vmem>>, vector<1000x128xf32>
      %dot_general3A = arith.constant dense<0.000000e+00> : vector<64x128xf32>
      %dot_general3A_70 = tpu.matmul %div3A_41, %get3A_69, %dot_general3A {dimension_numbers = #tpu.dot_dimension_numbers<[0], [0], [1], [1], [0, 1, 1, 1], [], []>, transpose_lhs_hint = false} : vector<1000x64xf32>, vector<1000x128xf32>, vector<64x128xf32> -> vector<64x128xf32>
      %eq3A_71 = arith.constant 0 : i32
      %eq3A_72 = arith.cmpi eq, %arg0, %eq3A_71 : i32
      %convert_element_type3A_73 = arith.extui %eq3A_72 : i1 to i32
      %cond3A_74 = arith.constant 0 : i32
      %cond3A_75 = arith.cmpi ne, %convert_element_type3A_73, %cond3A_74 : i32
      scf.if %cond3A_75 {
        %swap3A_80 = arith.constant 0 : index
        %swap3A_81 = arith.constant 0 : index
        %swap3A_82 = vector.load %arg13[%swap3A_80, %swap3A_81] : memref<1x64xf32, #tpu.memory_space<vmem>>, vector<1x64xf32>
        tpu.vector_store %arg13[%swap3A_80, %swap3A_81], %broadcast_in_dim3A_66 {strides = array<i32>} : memref<1x64xf32, #tpu.memory_space<vmem>>, vector<1x64xf32>,
        %swap3A_83 = arith.constant 0 : index
        %swap3A_84 = arith.constant 0 : index
        %swap3A_85 = vector.load %arg14[%swap3A_83, %swap3A_84] : memref<64x128xf32, #tpu.memory_space<vmem>>, vector<64x128xf32>
        tpu.vector_store %arg14[%swap3A_83, %swap3A_84], %dot_general3A_70 {strides = array<i32>} : memref<64x128xf32, #tpu.memory_space<vmem>>, vector<64x128xf32>,
      } else {
      }
      %gt3A = arith.constant 0 : i32
      %gt3A_76 = arith.cmpi sgt, %arg0, %gt3A : i32
      %convert_element_type3A_77 = arith.extui %gt3A_76 : i1 to i32
      %cond3A_78 = arith.constant 0 : i32
      %cond3A_79 = arith.cmpi ne, %convert_element_type3A_77, %cond3A_78 : i32
      scf.if %cond3A_79 {
        %get3A_80 = arith.constant 0 : index
        %get3A_81 = arith.constant 0 : index
        %get3A_82 = vector.load %arg13[%get3A_80, %get3A_81] : memref<1x64xf32, #tpu.memory_space<vmem>>, vector<1x64xf32>
        %add3A_83 = arith.addf %get3A_82, %broadcast_in_dim3A_66 : vector<1x64xf32>
        %swap3A_84 = arith.constant 0 : index
        %swap3A_85 = arith.constant 0 : index
        %swap3A_86 = vector.load %arg13[%swap3A_84, %swap3A_85] : memref<1x64xf32, #tpu.memory_space<vmem>>, vector<1x64xf32>
        tpu.vector_store %arg13[%swap3A_84, %swap3A_85], %add3A_83 {strides = array<i32>} : memref<1x64xf32, #tpu.memory_space<vmem>>, vector<1x64xf32>,
        %get3A_87 = arith.constant 0 : index
        %get3A_88 = arith.constant 0 : index
        %get3A_89 = vector.load %arg14[%get3A_87, %get3A_88] : memref<64x128xf32, #tpu.memory_space<vmem>>, vector<64x128xf32>
        %add3A_90 = arith.addf %get3A_89, %dot_general3A_70 : vector<64x128xf32>
        %swap3A_91 = arith.constant 0 : index
        %swap3A_92 = arith.constant 0 : index
        %swap3A_93 = vector.load %arg14[%swap3A_91, %swap3A_92] : memref<64x128xf32, #tpu.memory_space<vmem>>, vector<64x128xf32>
        tpu.vector_store %arg14[%swap3A_91, %swap3A_92], %add3A_90 {strides = array<i32>} : memref<64x128xf32, #tpu.memory_space<vmem>>, vector<64x128xf32>,
      } else {
      }
    } else {
    }
    %ge3A = arith.constant 10 : i32
    %ge3A_2 = arith.cmpi sge, %arg0, %ge3A : i32
    %lt3A_3 = arith.constant 20 : i32
    %lt3A_4 = arith.cmpi slt, %arg0, %lt3A_3 : i32
    %and3A = arith.andi %ge3A_2, %lt3A_4 : i1
    %convert_element_type3A_5 = arith.extui %and3A : i1 to i32
    %cond3A_6 = arith.constant 0 : i32
    %cond3A_7 = arith.cmpi ne, %convert_element_type3A_5, %cond3A_6 : i32
    scf.if %cond3A_7 {
      %sub3A = arith.constant 10 : i32
      %sub3A_12 = arith.subi %arg0, %sub3A : i32
      %mul3A = arith.constant 1000 : i32
      %mul3A_13 = arith.muli %sub3A_12, %mul3A : i32
      %get3A = arith.index_cast %mul3A_13 : i32 to index
      %get3A_14 = arith.constant 0 : index
      %get3A_15 = vector.load %arg11[%get3A, %get3A_14] : memref<10000x64xf32, #tpu.memory_space<vmem>>, vector<1000x64xf32>
      %sub3A_16 = arith.constant 10 : i32
      %sub3A_17 = arith.subi %arg0, %sub3A_16 : i32
      %mul3A_18 = arith.constant 1000 : i32
      %mul3A_19 = arith.muli %sub3A_17, %mul3A_18 : i32
      %get3A_20 = arith.index_cast %mul3A_19 : i32 to index
      %get3A_21 = arith.constant 0 : index
      %get3A_22 = vector.load %arg12[%get3A_20, %get3A_21] : memref<10000x128xf32, #tpu.memory_space<vmem>>, vector<1000x128xf32>
      %mul3A_23 = arith.mulf %get3A_15, %get3A_15 : vector<1000x64xf32>
      %get3A_24 = arith.constant 0 : index
      %get3A_25 = arith.constant 0 : index
      %get3A_26 = vector.load %arg13[%get3A_24, %get3A_25] : memref<1x64xf32, #tpu.memory_space<vmem>>, vector<1x64xf32>
      %div3A = vector.broadcast %get3A_26 : vector<1x64xf32> to vector<1000x64xf32>
      %div3A_27 = arith.divf %mul3A_23, %div3A : vector<1000x64xf32>
      %reduce_max3A = arith.constant dense<0xFF800000> : vector<1000xf32>
      %reduce_max3A_28 = vector.multi_reduction <maximumf>, %div3A_27, %reduce_max3A [1] : vector<1000x64xf32> to vector<1000xf32>
      %broadcast_in_dim3A = vector.shape_cast %reduce_max3A_28 : vector<1000xf32> to vector<1000x1xf32>
      %sub3A_29 = vector.broadcast %broadcast_in_dim3A : vector<1000x1xf32> to vector<1000x64xf32>
      %sub3A_30 = arith.subf %div3A_27, %sub3A_29 : vector<1000x64xf32>
      %exp3A = math.exp %sub3A_30 : vector<1000x64xf32>
      %reduce_sum3A = arith.constant dense<0.000000e+00> : vector<1000xf32>
      %reduce_sum3A_31 = vector.multi_reduction <add>, %exp3A, %reduce_sum3A [1] : vector<1000x64xf32> to vector<1000xf32>
      %broadcast_in_dim3A_32 = vector.shape_cast %reduce_sum3A_31 : vector<1000xf32> to vector<1000x1xf32>
      %div3A_33 = vector.broadcast %broadcast_in_dim3A_32 : vector<1000x1xf32> to vector<1000x64xf32>
      %div3A_34 = arith.divf %exp3A, %div3A_33 : vector<1000x64xf32>
      %reduce_sum3A_35 = arith.constant dense<0.000000e+00> : vector<64xf32>
      %reduce_sum3A_36 = vector.multi_reduction <add>, %div3A_34, %reduce_sum3A_35 [0] : vector<1000x64xf32> to vector<64xf32>
      %broadcast_in_dim3A_37 = vector.shape_cast %reduce_sum3A_36 : vector<64xf32> to vector<1x64xf32>
      %dot_general3A = arith.constant dense<0.000000e+00> : vector<64x128xf32>
      %dot_general3A_38 = tpu.matmul %div3A_34, %get3A_22, %dot_general3A {dimension_numbers = #tpu.dot_dimension_numbers<[0], [0], [1], [1], [0, 1, 1, 1], [], []>, transpose_lhs_hint = false} : vector<1000x64xf32>, vector<1000x128xf32>, vector<64x128xf32> -> vector<64x128xf32>
      %eq3A_39 = arith.constant 10 : i32
      %eq3A_40 = arith.cmpi eq, %arg0, %eq3A_39 : i32
      %convert_element_type3A_41 = arith.extui %eq3A_40 : i1 to i32
      %cond3A_42 = arith.constant 0 : i32
      %cond3A_43 = arith.cmpi ne, %convert_element_type3A_41, %cond3A_42 : i32
      scf.if %cond3A_43 {
        %swap3A = arith.constant 0 : index
        %swap3A_48 = arith.constant 0 : index
        %swap3A_49 = vector.load %arg15[%swap3A, %swap3A_48] : memref<1x64xf32, #tpu.memory_space<vmem>>, vector<1x64xf32>
        tpu.vector_store %arg15[%swap3A, %swap3A_48], %broadcast_in_dim3A_37 {strides = array<i32>} : memref<1x64xf32, #tpu.memory_space<vmem>>, vector<1x64xf32>,
        %swap3A_50 = arith.constant 0 : index
        %swap3A_51 = arith.constant 0 : index
        %swap3A_52 = vector.load %arg16[%swap3A_50, %swap3A_51] : memref<64x128xf32, #tpu.memory_space<vmem>>, vector<64x128xf32>
        tpu.vector_store %arg16[%swap3A_50, %swap3A_51], %dot_general3A_38 {strides = array<i32>} : memref<64x128xf32, #tpu.memory_space<vmem>>, vector<64x128xf32>,
      } else {
      }
      %gt3A = arith.constant 10 : i32
      %gt3A_44 = arith.cmpi sgt, %arg0, %gt3A : i32
      %convert_element_type3A_45 = arith.extui %gt3A_44 : i1 to i32
      %cond3A_46 = arith.constant 0 : i32
      %cond3A_47 = arith.cmpi ne, %convert_element_type3A_45, %cond3A_46 : i32
      scf.if %cond3A_47 {
        %get3A_48 = arith.constant 0 : index
        %get3A_49 = arith.constant 0 : index
        %get3A_50 = vector.load %arg15[%get3A_48, %get3A_49] : memref<1x64xf32, #tpu.memory_space<vmem>>, vector<1x64xf32>
        %add3A = arith.addf %get3A_50, %broadcast_in_dim3A_37 : vector<1x64xf32>
        %swap3A = arith.constant 0 : index
        %swap3A_51 = arith.constant 0 : index
        %swap3A_52 = vector.load %arg15[%swap3A, %swap3A_51] : memref<1x64xf32, #tpu.memory_space<vmem>>, vector<1x64xf32>
        tpu.vector_store %arg15[%swap3A, %swap3A_51], %add3A {strides = array<i32>} : memref<1x64xf32, #tpu.memory_space<vmem>>, vector<1x64xf32>,
        %get3A_53 = arith.constant 0 : index
        %get3A_54 = arith.constant 0 : index
        %get3A_55 = vector.load %arg16[%get3A_53, %get3A_54] : memref<64x128xf32, #tpu.memory_space<vmem>>, vector<64x128xf32>
        %add3A_56 = arith.addf %get3A_55, %dot_general3A_38 : vector<64x128xf32>
        %swap3A_57 = arith.constant 0 : index
        %swap3A_58 = arith.constant 0 : index
        %swap3A_59 = vector.load %arg16[%swap3A_57, %swap3A_58] : memref<64x128xf32, #tpu.memory_space<vmem>>, vector<64x128xf32>
        tpu.vector_store %arg16[%swap3A_57, %swap3A_58], %add3A_56 {strides = array<i32>} : memref<64x128xf32, #tpu.memory_space<vmem>>, vector<64x128xf32>,
      } else {
      }
    } else {
    }
    %eq3A = arith.constant 20 : i32
    %eq3A_8 = arith.cmpi eq, %arg0, %eq3A : i32
    %convert_element_type3A_9 = arith.extui %eq3A_8 : i1 to i32
    %cond3A_10 = arith.constant 0 : i32
    %cond3A_11 = arith.cmpi ne, %convert_element_type3A_9, %cond3A_10 : i32
    scf.if %cond3A_11 {
      %get3A = arith.constant 0 : index
      %get3A_12 = arith.constant 0 : index
      %get3A_13 = vector.load %arg13[%get3A, %get3A_12] : memref<1x64xf32, #tpu.memory_space<vmem>>, vector<1x64xf32>
      %get3A_14 = arith.constant 0 : index
      %get3A_15 = arith.constant 0 : index
      %get3A_16 = vector.load %arg6[%get3A_14, %get3A_15] : memref<64x64xf32, #tpu.memory_space<vmem>>, vector<64x64xf32>
      %dot_general3A = arith.constant dense<0.000000e+00> : vector<64x1xf32>
      %dot_general3A_17 = tpu.matmul %get3A_16, %get3A_13, %dot_general3A {dimension_numbers = #tpu.dot_dimension_numbers<[1], [1], [0], [0], [0, 0, 1, 0], [], []>, precision = #tpu.contract_precision<fp32>, transpose_lhs_hint = false} : vector<64x64xf32>, vector<1x64xf32>, vector<64x1xf32> -> vector<64x1xf32>
      %get3A_18 = arith.constant 0 : index
      %get3A_19 = arith.constant 0 : index
      %get3A_20 = vector.load %arg15[%get3A_18, %get3A_19] : memref<1x64xf32, #tpu.memory_space<vmem>>, vector<1x64xf32>
      %dot_general3A_21 = arith.constant dense<0.000000e+00> : vector<64x1xf32>
      %dot_general3A_22 = tpu.matmul %get3A_16, %get3A_20, %dot_general3A_21 {dimension_numbers = #tpu.dot_dimension_numbers<[1], [1], [0], [0], [0, 0, 1, 0], [], []>, precision = #tpu.contract_precision<fp32>, transpose_lhs_hint = false} : vector<64x64xf32>, vector<1x64xf32>, vector<64x1xf32> -> vector<64x1xf32>
      %get3A_23 = arith.constant 0 : index
      %get3A_24 = arith.constant 0 : index
      %get3A_25 = vector.load %arg14[%get3A_23, %get3A_24] : memref<64x128xf32, #tpu.memory_space<vmem>>, vector<64x128xf32>
      %div3A = vector.broadcast %dot_general3A_17 : vector<64x1xf32> to vector<64x128xf32>
      %div3A_26 = arith.divf %get3A_25, %div3A : vector<64x128xf32>
      %get3A_27 = arith.constant 0 : index
      %get3A_28 = arith.constant 0 : index
      %get3A_29 = vector.load %arg16[%get3A_27, %get3A_28] : memref<64x128xf32, #tpu.memory_space<vmem>>, vector<64x128xf32>
      %div3A_30 = vector.broadcast %dot_general3A_22 : vector<64x1xf32> to vector<64x128xf32>
      %div3A_31 = arith.divf %get3A_29, %div3A_30 : vector<64x128xf32>
      %swap3A = arith.constant 0 : index
      %swap3A_32 = arith.constant 0 : index
      %swap3A_33 = vector.load %arg10[%swap3A, %swap3A_32] : memref<64x128xf32, #tpu.memory_space<vmem>>, vector<64x128xf32>
      tpu.vector_store %arg10[%swap3A, %swap3A_32], %div3A_26 {strides = array<i32>} : memref<64x128xf32, #tpu.memory_space<vmem>>, vector<64x128xf32>,
      %mul3A = arith.mulf %div3A_26, %div3A_26 : vector<64x128xf32>
      %reduce_sum3A = arith.constant dense<0.000000e+00> : vector<64xf32>
      %reduce_sum3A_34 = vector.multi_reduction <add>, %mul3A, %reduce_sum3A [1] : vector<64x128xf32> to vector<64xf32>
      %broadcast_in_dim3A = vector.shape_cast %reduce_sum3A_34 : vector<64xf32> to vector<64x1xf32>
      %sqrt3A = math.sqrt %broadcast_in_dim3A : vector<64x1xf32>
      %max3A = arith.constant 9.99999993E-9 : f32
      %max3A_35 = vector.broadcast %max3A : f32 to vector<64x1xf32>
      %max3A_36 = arith.maximumf %sqrt3A, %max3A_35 : vector<64x1xf32>
      %mul3A_37 = arith.mulf %div3A_31, %div3A_31 : vector<64x128xf32>
      %reduce_sum3A_38 = arith.constant dense<0.000000e+00> : vector<64xf32>
      %reduce_sum3A_39 = vector.multi_reduction <add>, %mul3A_37, %reduce_sum3A_38 [1] : vector<64x128xf32> to vector<64xf32>
      %broadcast_in_dim3A_40 = vector.shape_cast %reduce_sum3A_39 : vector<64xf32> to vector<64x1xf32>
      %sqrt3A_41 = math.sqrt %broadcast_in_dim3A_40 : vector<64x1xf32>
      %max3A_42 = arith.constant 9.99999993E-9 : f32
      %max3A_43 = vector.broadcast %max3A_42 : f32 to vector<64x1xf32>
      %max3A_44 = arith.maximumf %sqrt3A_41, %max3A_43 : vector<64x1xf32>
      %div3A_45 = vector.broadcast %max3A_36 : vector<64x1xf32> to vector<64x128xf32>
      %div3A_46 = arith.divf %div3A_26, %div3A_45 : vector<64x128xf32>
      %div3A_47 = vector.broadcast %max3A_44 : vector<64x1xf32> to vector<64x128xf32>
      %div3A_48 = arith.divf %div3A_31, %div3A_47 : vector<64x128xf32>
      %dot_general3A_49 = arith.constant dense<0.000000e+00> : vector<64x64xf32>
      %dot_general3A_50 = tpu.matmul %div3A_46, %div3A_48, %dot_general3A_49 {dimension_numbers = #tpu.dot_dimension_numbers<[1], [1], [0], [0], [0, 0, 1, 0], [], []>, transpose_lhs_hint = false} : vector<64x128xf32>, vector<64x128xf32>, vector<64x64xf32> -> vector<64x64xf32>
      %div3A_51 = arith.constant 5.000000e-01 : f32
      %div3A_52 = vector.broadcast %div3A_51 : f32 to vector<64x64xf32>
      %div3A_53 = arith.divf %dot_general3A_50, %div3A_52 : vector<64x64xf32>
      %reduce_max3A = arith.constant dense<0xFF800000> : vector<64xf32>
      %reduce_max3A_54 = vector.multi_reduction <maximumf>, %div3A_53, %reduce_max3A [1] : vector<64x64xf32> to vector<64xf32>
      %broadcast_in_dim3A_55 = vector.shape_cast %reduce_max3A_54 : vector<64xf32> to vector<64x1xf32>
      %sub3A = vector.broadcast %broadcast_in_dim3A_55 : vector<64x1xf32> to vector<64x64xf32>
      %sub3A_56 = arith.subf %div3A_53, %sub3A : vector<64x64xf32>
      %exp3A = math.exp %sub3A_56 : vector<64x64xf32>
      %reduce_sum3A_57 = arith.constant dense<0.000000e+00> : vector<64xf32>
      %reduce_sum3A_58 = vector.multi_reduction <add>, %exp3A, %reduce_sum3A_57 [1] : vector<64x64xf32> to vector<64xf32>
      %broadcast_in_dim3A_59 = vector.shape_cast %reduce_sum3A_58 : vector<64xf32> to vector<64x1xf32>
      %log3A = math.log %broadcast_in_dim3A_59 : vector<64x1xf32>
      %add3A = arith.addf %log3A, %broadcast_in_dim3A_55 : vector<64x1xf32>
      %reduce_max3A_60 = arith.constant dense<0xFF800000> : vector<64xf32>
      %reduce_max3A_61 = vector.multi_reduction <maximumf>, %div3A_53, %reduce_max3A_60 [0] : vector<64x64xf32> to vector<64xf32>
      %broadcast_in_dim3A_62 = vector.shape_cast %reduce_max3A_61 : vector<64xf32> to vector<1x64xf32>
      %sub3A_63 = vector.broadcast %broadcast_in_dim3A_62 : vector<1x64xf32> to vector<64x64xf32>
      %sub3A_64 = arith.subf %div3A_53, %sub3A_63 : vector<64x64xf32>
      %exp3A_65 = math.exp %sub3A_64 : vector<64x64xf32>
      %reduce_sum3A_66 = arith.constant dense<0.000000e+00> : vector<64xf32>
      %reduce_sum3A_67 = vector.multi_reduction <add>, %exp3A_65, %reduce_sum3A_66 [0] : vector<64x64xf32> to vector<64xf32>
      %broadcast_in_dim3A_68 = vector.shape_cast %reduce_sum3A_67 : vector<64xf32> to vector<1x64xf32>
      %log3A_69 = math.log %broadcast_in_dim3A_68 : vector<1x64xf32>
      %add3A_70 = arith.addf %log3A_69, %broadcast_in_dim3A_62 : vector<1x64xf32>
      %sub3A_71 = vector.broadcast %add3A : vector<64x1xf32> to vector<64x64xf32>
      %sub3A_72 = arith.subf %div3A_53, %sub3A_71 : vector<64x64xf32>
      %mul3A_73 = arith.mulf %sub3A_72, %get3A_16 : vector<64x64xf32>
      %reduce_sum3A_74 = vector.shape_cast %mul3A_73 : vector<64x64xf32> to vector<1x64x64xf32>
      %reduce_sum3A_75 = arith.constant dense<0.000000e+00> : vector<1xf32>
      %reduce_sum3A_76 = vector.multi_reduction <add>, %reduce_sum3A_74, %reduce_sum3A_75 [1, 2] : vector<1x64x64xf32> to vector<1xf32>
      %reduce_sum3A_77 = vector.shape_cast %reduce_sum3A_76 : vector<1xf32> to vector<1x1x1xf32>
      %reduce_sum3A_78 = vector.extract %reduce_sum3A_77[0, 0, 0] : f32 from vector<1x1x1xf32>
      %div3A_79 = arith.constant 6.400000e+01 : f32
      %div3A_80 = arith.divf %reduce_sum3A_78, %div3A_79 : f32
      %sub3A_81 = vector.broadcast %add3A_70 : vector<1x64xf32> to vector<64x64xf32>
      %sub3A_82 = arith.subf %div3A_53, %sub3A_81 : vector<64x64xf32>
      %mul3A_83 = arith.mulf %sub3A_82, %get3A_16 : vector<64x64xf32>
      %reduce_sum3A_84 = vector.shape_cast %mul3A_83 : vector<64x64xf32> to vector<1x64x64xf32>
      %reduce_sum3A_85 = arith.constant dense<0.000000e+00> : vector<1xf32>
      %reduce_sum3A_86 = vector.multi_reduction <add>, %reduce_sum3A_84, %reduce_sum3A_85 [1, 2] : vector<1x64x64xf32> to vector<1xf32>
      %reduce_sum3A_87 = vector.shape_cast %reduce_sum3A_86 : vector<1xf32> to vector<1x1x1xf32>
      %reduce_sum3A_88 = vector.extract %reduce_sum3A_87[0, 0, 0] : f32 from vector<1x1x1xf32>
      %div3A_89 = arith.constant 6.400000e+01 : f32
      %div3A_90 = arith.divf %reduce_sum3A_88, %div3A_89 : f32
      %add3A_91 = arith.addf %div3A_80, %div3A_90 : f32
      %mul3A_92 = arith.constant -5.000000e-01 : f32
      %mul3A_93 = arith.mulf %mul3A_92, %add3A_91 : f32
      %mul3A_94 = arith.mulf %get3A_13, %get3A_13 : vector<1x64xf32>
      %reduce_sum3A_95 = vector.shape_cast %mul3A_94 : vector<1x64xf32> to vector<1x1x64xf32>
      %reduce_sum3A_96 = arith.constant dense<0.000000e+00> : vector<1xf32>
      %reduce_sum3A_97 = vector.multi_reduction <add>, %reduce_sum3A_95, %reduce_sum3A_96 [1, 2] : vector<1x1x64xf32> to vector<1xf32>
      %reduce_sum3A_98 = vector.shape_cast %reduce_sum3A_97 : vector<1xf32> to vector<1x1x1xf32>
      %reduce_sum3A_99 = vector.extract %reduce_sum3A_98[0, 0, 0] : f32 from vector<1x1x1xf32>
      %div3A_100 = arith.constant 6.400000e+01 : f32
      %div3A_101 = arith.divf %reduce_sum3A_99, %div3A_100 : f32
      %mul3A_102 = arith.constant 0.00999999977 : f32
      %mul3A_103 = arith.mulf %div3A_101, %mul3A_102 : f32
      %add3A_104 = arith.addf %mul3A_93, %mul3A_103 : f32
      %broadcast_in_dim3A_105 = vector.broadcast %add3A_104 : f32 to vector<1x1xf32>
      %swap3A_106 = arith.constant 0 : index
      %swap3A_107 = arith.constant 0 : index
      %swap3A_108 = vector.load %arg9[%swap3A_106, %swap3A_107] : memref<1x1xf32, #tpu.memory_space<vmem>>, vector<1x1xf32>
      tpu.vector_store %arg9[%swap3A_106, %swap3A_107], %broadcast_in_dim3A_105 {strides = array<i32>} : memref<1x1xf32, #tpu.memory_space<vmem>>, vector<1x1xf32>,
    } else {
    }
    return
  }
  func.func @transform_0(%arg0: i32) -> (i32, i32, i32) {
    %min3A = arith.constant 9 : i32
    %min3A_0 = arith.minsi %arg0, %min3A : i32
    %c0_i32 = arith.constant 0 : i32
    %c0_i32_1 = arith.constant 0 : i32
    %c0_i32_2 = arith.constant 0 : i32
    return %c0_i32, %min3A_0, %c0_i32_1 : i32, i32, i32
  }
  func.func @transform_1(%arg0: i32) -> (i32, i32, i32) {
    %min3A = arith.constant 9 : i32
    %min3A_0 = arith.minsi %arg0, %min3A : i32
    %c1_i32 = arith.constant 1 : i32
    %c0_i32 = arith.constant 0 : i32
    %c0_i32_1 = arith.constant 0 : i32
    return %c1_i32, %min3A_0, %c0_i32 : i32, i32, i32
  }
  func.func @transform_2(%arg0: i32) -> (i32, i32, i32) {
    %min3A = arith.constant 9 : i32
    %min3A_0 = arith.minsi %arg0, %min3A : i32
    %c0_i32 = arith.constant 0 : i32
    %c0_i32_1 = arith.constant 0 : i32
    %c0_i32_2 = arith.constant 0 : i32
    return %c0_i32, %min3A_0, %c0_i32_1 : i32, i32, i32
  }
  func.func @transform_3(%arg0: i32) -> (i32, i32, i32) {
    %min3A = arith.constant 9 : i32
    %min3A_0 = arith.minsi %arg0, %min3A : i32
    %c1_i32 = arith.constant 1 : i32
    %c0_i32 = arith.constant 0 : i32
    %c0_i32_1 = arith.constant 0 : i32
    return %c1_i32, %min3A_0, %c0_i32 : i32, i32, i32
  }
  func.func @transform_4(%arg0: i32) -> (i32, i32) {
    %min3A = arith.constant 9 : i32
    %min3A_0 = arith.minsi %arg0, %min3A : i32
    %c0_i32 = arith.constant 0 : i32
    %c0_i32_1 = arith.constant 0 : i32
    return %min3A_0, %c0_i32 : i32, i32
  }
  func.func @transform_5(%arg0: i32) -> (i32, i32) {
    %c0_i32 = arith.constant 0 : i32
    %c0_i32_0 = arith.constant 0 : i32
    %c0_i32_1 = arith.constant 0 : i32
    return %c0_i32, %c0_i32_0 : i32, i32
  }
  func.func @transform_6(%arg0: i32) -> (i32, i32) {
    %min3A = arith.constant 9 : i32
    %min3A_0 = arith.minsi %arg0, %min3A : i32
    %c0_i32 = arith.constant 0 : i32
    %c0_i32_1 = arith.constant 0 : i32
    return %min3A_0, %c0_i32 : i32, i32
  }
  func.func @transform_7(%arg0: i32) -> (i32, i32) {
    %min3A = arith.constant 9 : i32
    %min3A_0 = arith.minsi %arg0, %min3A : i32
    %c0_i32 = arith.constant 0 : i32
    %c0_i32_1 = arith.constant 0 : i32
    return %min3A_0, %c0_i32 : i32, i32
  }
  func.func @transform_8(%arg0: i32) -> (i32, i32) {
    %c0_i32 = arith.constant 0 : i32
    %c0_i32_0 = arith.constant 0 : i32
    %c0_i32_1 = arith.constant 0 : i32
    return %c0_i32, %c0_i32_0 : i32, i32
  }
  func.func @transform_9(%arg0: i32) -> (i32, i32) {
    %c0_i32 = arith.constant 0 : i32
    %c0_i32_0 = arith.constant 0 : i32
    %c0_i32_1 = arith.constant 0 : i32
    return %c0_i32, %c0_i32_0 : i32, i32
  }
}

</mosaic_0001>

<sc_bundles>
// kernel: kernel.10.cloned.1.call-start
scs
__scs_entry_jumppad:
0x0: {  	(pc) =	sbr.rel $0x88, $3  }
0x1: {  	(tag) =	ssettag $0x0;
	lr =	simm.s32 $0x1  }
0x2: {  	[smem:$0x3F9B] =	sst lr;
	_ =	strace $0xD0000000  }
0x3: {  	_ = 	snop  }
0x4: {  	_ = 	snop  }
0x5: {  	_ = 	snop  }
0x6: {  	_ = 	snop  }
0x7: {  	_ = 	snop  }
__scs_overlays_trampoline_lowered:
0x8: {  	[smem:$0x3FAA] =	sst s0  }
0x9: {  	[smem:$0x3FAB] =	sst s1  }
0xa: {  	[smem:$0x3FAC] =	sst s2  }
0xb: {  	[smem:$0x3FAD] =	sst s3  }
0xc: {  	[smem:$0x3FAE] =	sst s4  }
0xd: {  	[smem:$0x3FAF] =	sst s5  }
0xe: {  	[smem:$0x3FB0] =	sst s6  }
0xf: {  	[smem:$0x3FB1] =	sst s7  }
0x10: {  	[smem:$0x3FB2] =	sst s8  }
0x11: {  	[smem:$0x3FB3] =	sst s9;
	s0 =	simm.s32 @!p0 $0x0  }
0x12: {  	s1 =	sld [smem:$0x3F99];
	s0 =	simm.s32 @p0 $0x1  }
0x13: {  	[smem:$0x3FB4] =	sst s0;
	s0 =	simm.s32 @!p1 $0x0  }
0x14: {  	s2 =	sld [smem:$0x3F98];
	s0 =	simm.s32 @p1 $0x1  }
0x15: {  	[smem:$0x3FB5] =	sst s0;
	s0 =	simm.s32 @!p2 $0x0  }
0x16: {  	s3 =	sld [smem:$0x3FDB];
	s0 =	simm.s32 @p2 $0x1  }
0x17: {  	s4 =	simm.s32 $0x1BF5;
	[smem:$0x3FB7] =	sst s0  }
0x18: {  	s0 =	sld [smem:$0x3F9A];
	_ =	swait.ge [sflag:s4], $0x0  }
0x19: {  	s7 =	sld [smem:$0x3F9B]  }
0x1a: {  	s8 =	sadd.s32 $0xFFFFE003, lr  }
0x1b: {  	s9 =	sadd.s32 $0xFFFFFEF7, lr;
	s5 =	simm.s32 $0xFFFFFFFF;
	p2 =	slt.u32 s8, $0xFFFFF086  }
0x1c: {  	p1 =	slt.u32 s9, $0xF7A;
	s5 =	simm.s32 @!p2 $0x0  }
0x1d: {  	s5 =	simm.s32 @p1 $0x1;
	p0 =	seq.s32 s7, s2  }
0x1e: {  	s7 =	smul.u32 @!p0 $0xF7A, s2;
	p2 =	seq.s32 @!p0 s5, $0x0  }
0x1f: {  	s9 =	smul.u32 $0xF7A, s1;
	s8 =	simm.s32 @!p0 $0x1BF5;
	p2 =	por !p2, p0  }
0x20: {  	[sflag:s8] =	ssyncset.s32 @!p0 $0xFFFFF086;
	s6 =	sadd.s32 @!p0 s3, s7;
	s7 =	simm.s32 @!p0 $0x108  }
0x21: {  	s3 =	sadd.s32 s3, s9;
	s6 =	sadd.s32 @!p0 $0x88, s6;
	s7 =	simm.s32 @p2 $0x1082  }
0x22: {  	[simem:s7], [sflag:s8] =	dma.local @!p0 [hbm:s6], $0xF7A  }
0x23: {  	s9 =	sor.u32 $0xD0000000, s2;
	s6 =	simm.s32 $0x108;
	_ =	swait.ge @!p0 [sflag:s8], $0x0  }
0x24: {  	s3 =	sadd.s32 $0x88, s3;
	s6 =	simm.s32 @!p1 $0x1082;
	[sflag:s4] =	ssyncset.s32 $0xFFFFF086  }
0x25: {  	[simem:s6], [sflag:s4] =	dma.local [hbm:s3], $0xF7A  }
0x26: {  	[smem:$0x3F9B] =	sst s1;
	(tag) =	ssettag s2;
	_ =	strace s9  }
0x27: {  	s1 =	sld [smem:$0x3FAB]  }
0x28: {  	s2 =	sld [smem:$0x3FAC]  }
0x29: {  	s4 =	sld [smem:$0x3FAE]  }
0x2a: {  	p0 =	seq.s32 s5, $0x0;
	s5 =	sld [smem:$0x3FAF]  }
0x2b: {  	s6 =	sld [smem:$0x3FB0]  }
0x2c: {  	s7 =	sld [smem:$0x3FB1]  }
0x2d: {  	s3 =	simm.s32 $0x108;
	s8 =	sld [smem:$0x3FB2]  }
0x2e: {  	s3 =	simm.s32 @!p0 $0x1082;
	s9 =	sld [smem:$0x3FB3]  }
0x2f: {  	lr =	sadd.s32 s0, s3;
	s0 =	sld [smem:$0x3FAA]  }
0x30: {  	s3 =	sld [smem:$0x3FAD]  }
0x31: {  	[smem:$0x3FB6] =	sst s10  }
0x32: {  	s10 =	sld [smem:$0x3FB4];
	_ =	sdelay $0x3  }
0x33: {  	p0 =	seq.s32 s10, $0x1;
	s10 =	sld [smem:$0x3FB6];
	_ =	sdelay $0x3  }
0x34: {  	[smem:$0x3FB6] =	sst s10  }
0x35: {  	s10 =	sld [smem:$0x3FB5];
	_ =	sdelay $0x3  }
0x36: {  	p1 =	seq.s32 s10, $0x1;
	s10 =	sld [smem:$0x3FB6];
	_ =	sdelay $0x3  }
0x37: {  	[smem:$0x3FB6] =	sst s10  }
0x38: {  	s10 =	sld [smem:$0x3FB7]  }
0x39: {  	_ = 	snop;
	(pc) =	sbr.ind lr, $3  }
0x3a: {  	_ = 	snop  }
0x3b: {  	_ = 	snop  }
0x3c: {  	p2 =	seq.s32 s10, $0x1;
	s10 =	sld [smem:$0x3FB6]  }
0x3d: {  	_ =	shalt  }
0x3e: {  	_ =	shalt  }
0x3f: {  	_ =	shalt  }
0x40: {  	_ =	shalt  }
0x41: {  	_ =	shalt  }
0x42: {  	_ =	shalt  }
0x43: {  	_ =	shalt  }
0x44: {  	_ =	shalt  }
0x45: {  	_ =	shalt  }
0x46: {  	_ =	shalt  }
0x47: {  	_ =	shalt  }
0x48: {  	_ =	shalt  }
0x49: {  	_ =	shalt  }
0x4a: {  	_ =	shalt  }
0x4b: {  	_ =	shalt  }
0x4c: {  	_ =	shalt  }
0x4d: {  	_ =	shalt  }
0x4e: {  	_ =	shalt  }
0x4f: {  	_ =	shalt  }
0x50: {  	_ =	shalt  }
0x51: {  	_ =	shalt  }
0x52: {  	_ =	shalt  }
0x53: {  	_ =	shalt  }
0x54: {  	_ =	shalt  }
0x55: {  	_ =	shalt  }
0x56: {  	_ =	shalt  }
0x57: {  	_ =	shalt  }
0x58: {  	_ =	shalt  }
0x59: {  	_ =	shalt  }
0x5a: {  	_ =	shalt  }
0x5b: {  	_ =	shalt  }
0x5c: {  	_ =	shalt  }
0x5d: {  	_ =	shalt  }
0x5e: {  	_ =	shalt  }
0x5f: {  	_ =	shalt  }
0x60: {  	_ =	shalt  }
0x61: {  	_ =	shalt  }
0x62: {  	_ =	shalt  }
0x63: {  	_ =	shalt  }
0x64: {  	_ =	shalt  }
0x65: {  	_ =	shalt  }
0x66: {  	_ =	shalt  }
0x67: {  	_ =	shalt  }
0x68: {  	_ =	shalt  }
0x69: {  	_ =	shalt  }
0x6a: {  	_ =	shalt  }
0x6b: {  	_ =	shalt  }
0x6c: {  	_ =	shalt  }
0x6d: {  	_ =	shalt  }
0x6e: {  	_ =	shalt  }
0x6f: {  	_ =	shalt  }
0x70: {  	_ =	shalt  }
0x71: {  	_ =	shalt  }
0x72: {  	_ =	shalt  }
0x73: {  	_ =	shalt  }
0x74: {  	_ =	shalt  }
0x75: {  	_ =	shalt  }
0x76: {  	_ =	shalt  }
0x77: {  	_ =	shalt  }
0x78: {  	_ =	shalt  }
0x79: {  	_ =	shalt  }
0x7a: {  	_ =	shalt  }
0x7b: {  	_ =	shalt  }
0x7c: {  	_ =	shalt  }
0x7d: {  	_ =	shalt  }
0x7e: {  	_ =	shalt  }
0x7f: {  	_ =	shalt  }
0x80: {  	_ =	shalt  }
0x81: {  	_ =	shalt  }
0x82: {  	_ =	shalt  }
0x83: {  	_ =	shalt  }
0x84: {  	_ =	shalt  }
0x85: {  	_ =	shalt  }
0x86: {  	_ =	shalt  }
0x87: {  	_ =	shalt  }
.Lfunc_end0:
.L_simem_size_0:
called_computation.1_lowered:
.L_overlay_start_0:
0x88: {  	s2 =	sld [smem:$0x3FD9]  }
0x89: {  	s3 =	sld [smem:$0x3FFE];
	_ =	sdelay $0x1  }
0x8a: {  	s1 =	srdreg.scid  }
0x8b: {  	s0 =	sand.u32 $0x1, s1  }
0x8c: {  	s14 =	sshll.u32 s0, $0xA;
	s2 =	sadd.s32 s3, s2  }
0x8d: {  	s2 =	sadd.s32 s2, s14  }
0x8e: {  	[smem:$0x3FC2] =	sst s2  }
0x8f: {  	_ = 	snop  }
0x90: {  	s2 =	sld [smem:$0x3FD0];
	_ =	sdelay $0x2  }
0x91: {  	s15 =	simm.s32 $0xA;
	s4 =	simm.s32 $0x10  }
0x92: {  	[smem:s4], [sflag:s15] =	dma.local [hbm:s2], $0x1  }
0x93: {  	_ =	swait.eq [sflag:s15], $0x1  }
0x94: {  	[sflag:s15] =	ssyncset.done $0x0  }
0x95: {  	[sflag:s15] =	ssyncadd.s32 $0xFFFFFFFF  }
0x96: {  	s16 =	sld [smem:$0x11];
	(tm) =	ssettm $0x1  }
0x97: {  	s17 =	sld [smem:$0x3FFB];
	_ =	sdelay $0x3  }
0x98: {  	_ =	strace s17  }
0x99: {  	s3 =	sld [smem:$0x3FFC];
	_ =	sdelay $0x3  }
0x9a: {  	_ =	strace s3  }
0x9b: {  	s3 =	sld [smem:$0x3FFD];
	_ =	sdelay $0x3  }
0x9c: {  	_ =	strace s3  }
0x9d: {  	_ =	strace $0x8FFFFFFF  }
0x9e: {  	s18 =	sld [smem:$0x3FDB];
	_ =	sdelay $0x1  }
0x9f: {  	s19 =	simm.s32 $_scs_section_size  }
0xa0: {  	s5 =	simm.s32 $_size__tile_overlayer_lowered;
	s6 =	simm.s32 $_tile_overlayer_lowered  }
0xa1: {  	s22 =	simm.s32 $0x1BFF;
	s21 =	sshll.u32 s6, $0x1;
	s3 =	sadd.s32 s19, s18  }
0xa2: {  	s7 =	simm.s32 $0x0;
	s20 =	sshll.u32 s5, $0x1;
	s5 =	sadd.s32 s21, s3  }
0xa3: {  	[timem:s7], [sflag:s22] =	dma.local [hbm:s5], s20  }
0xa4: {  	_ =	swait.ge [sflag:s22], s20  }
0xa5: {  	s4 =	ssub.s32 $0x0, s20;
	[sflag:s22] =	ssyncset.done $0x0  }
0xa6: {  	[sflag:s22] =	ssyncadd.s32 s4;
	_ =	sdelay $0x1  }
0xa7: {  	s23 =	simm.s32 $0x1B8B  }
0xa8: {  	_ =	swait.ge [sflag:s23], $0x1  }
0xa9: {  	[sflag:s23] =	ssyncset.done $0x0  }
0xaa: {  	s25 =	simm.s32 $0x1B8E;
	s24 =	sld [smem:$0x3FFE];
	[sflag:s23] =	ssyncadd.s32 $0xFFFFFFFF  }
0xab: {  	s26 =	simm.s32 $execute0_lowered;
	[smem:$0x3FD2] =	sst s25  }
0xac: {  	s5 =	sshll.u32 s26, $0x1;
	_ =	strace $0x80000049;
	[dreg:$0x1] =	wrdreg $0xFFFFFFFF  }
0xad: {  	s28 =	simm.s32 $_size_execute0_lowered;
	s3 =	sadd.s32 s3, s5;
	[dreg:$0x0] =	wrdreg $0x0  }
0xae: {  	s5 =	sshll.u32 s28, $0x1;
	[dreg:$0x2] =	wrdreg s3  }
0xaf: {  	[dreg:$0x3] =	wrdreg s5  }
0xb0: {  	[dreg:$0x4] =	wrdreg $0xC0  }
0xb1: {  	_ =	task [dreg:s7], $0x5FFFF  }
0xb2: {  	[dreg:$0x1] =	wrdreg $0xFFFFFFFF  }
0xb3: {  	[dreg:$0x0] =	wrdreg $0x60  }
0xb4: {  	[dreg:$0x2] =	wrdreg s16  }
0xb5: {  	[dreg:$0x3] =	wrdreg s24  }
0xb6: {  	[dreg:$0x4] =	wrdreg $0xB2200  }
0xb7: {  	[dreg:$0x5] =	wrdreg $0x9  }
0xb8: {  	_ =	task.clear_ibuf [dreg:s7], $0x6FFFF;
	_ =	strace $0x90000049  }
0xb9: {  	s29 =	simm.s32 $0x9;
	_ =	strace $0x8000004B  }
0xba: {  	_ =	swait.ge [sflag:s29], $0x1  }
0xbb: {  	[sflag:s29] =	ssyncadd.s32 $0xFFFFFFFF  }
0xbc: {  	_ =	strace $0x9000004B  }
0xbd: {  	_ =	sfence  }
0xbe: {  	s30 =	sld [smem:$0x0];
	_ =	sdelay $0x2  }
0xbf: {  	s31 =	sshll.u32 s1, $0xD;
	s1 =	sshrl.u32 s1, $0x2  }
0xc0: {  	s3 =	sand.u32 $0x4000, s31;
	s1 =	sadd.s32 s1, s30  }
0xc1: {  	s0 =	sor.u32 s3, s0;
	s1 =	sshll.u32 s1, $0x11  }
0xc2: {  	s0 =	sor.u32 s1, s0  }
0xc3: {  	s0 =	sadd.s32 $0x8F2B, s0  }
0xc4: {  	[sflag:s0] =	ssyncadd.remote.s32 $0x1  }
0xc5: {  	_ =	sfence.sel $0xFFFF  }
0xc6: {  	[dreg:$0x0] =	wrdreg $0xFFFFFFFF;
	(pc) =	sbr.abs _section_cstart, $3  }
0xc7: {  	[dreg:$0x1] =	wrdreg $0xFFFFFFFF  }
0xc8: {  	_ =	task.clear_ibuf [dreg:s7], $0x2FFFF;
	_ =	strace $0x9FFFFFFF  }
0xc9: {  	(tm) =	ssettm $0x7FFFFFFF  }
tec
execute0_lowered:
.L_overlay_start_1:
0x0: {  	(tag) =	ssettag $0x1  }
0x1: {  	s0 =	srdreg.scid;
	s2 =	rddreg [dreg:$0x0]  }
0x2: {  	s10 =	stileid.u32;
	s6 =	rddreg [dreg:$0x1]  }
0x3: {  	s3 =	rddreg [dreg:$0x2];
	s4 =	simm.s32 $0x0;
	s12 =	simm.s32 $0xB  }
0x4: {  	s14 =	simm.s32 $0x50;
	s15 =	simm.s32 $0x4E20;
	s16 =	simm.s32 $0x6220  }
0x5: {  	s18 =	simm.s32 $0x7620;
	s20 =	simm.s32 $0x8A20;
	s22 =	simm.s32 $0x9E20  }
0x6: {  	s23 =	simm.s32 $0x1;
	s24 =	simm.s32 $0x2;
	s28 =	simm.s32 $0x5  }
0x7: {  	s29 =	simm.s32 $0x6;
	s30 =	simm.s32 $0x7;
	s31 =	simm.s32 $0x8  }
0x8: {  	s17 =	simm.s32 $0x0;
	s0 =	sand.u32 $0x1, s0;
	s7 =	smul.u32 $0x9C40, s10  }
0x9: {  	[smem:$0x7FF] =	sst s4;
	s26 =	sshll.u32 s10, $0x6;
	s1 =	sshll.u32 s0, $0x4  }
0xa: {  	s5 =	smul.u32 $0x9C400, s0;
	_ =	strace $0x8000004A;
	s0 =	ssub.s32 $0x2, s0  }
0xb: {  	s1 =	sor.u32 s10, s1;
	s25 =	sshrl.u32 s0, $0x1;
	s11 =	sadd.s32 s7, s3  }
0xc: {  	s1 =	smul.u32 $0x2710, s1;
	s5 =	sadd.s32 s7, s5;
	s0 =	ssub.s32 s0, s25  }
0xd: {  	s11 =	sshrl.u32 s11, $0x3;
	s25 =	simm.s32 $0x3;
	s8 =	sshrl.u32 s5, $0x3  }
0xe: {  	s5 =	sadd.s32 $0x14E00, s6;
	s10 =	smax.u32 s0, $0x1;
	s1 =	sshrl.u32 s1, $0x3  }
0xf: {  	s0 =	simm.s32 $0xA;
	s9 =	sadd.s32 s8, s6;
	s1 =	sadd.s32 s1, s6  }
0x10: {  	s6 =	sor.u32 $0x1C0B, s26;
	s9 =	sadd.s32 $0x64400, s9;
	s26 =	simm.s32 $0x4  }
0x11: {  	s7 =	sadd.s32 $0x1400, s1;
	s8 =	sadd.s32 $0xB040, s1;
	s1 =	simm.s32 $0x9  }
.LBB2_1:
0x12: {  	[spmem:s11], [sflag:s6] =	dma.local [hbm:s5], $0x1388  }
0x13: {  	_ =	swait.ge [sflag:s12], $0x1388  }
0x14: {  	[sflag:s12] =	ssyncset.done $0x0  }
0x15: {  	[sflag:s12] =	ssyncadd.s32 $0xFFFFEC78  }
0x16: {  	[tilespmem:s4], [sflag:$0xB] =	stream.linear.gather [hbm4b:s7+s4], $0x2710, $0x38;
	[tilespmem:$0x14E60] =	vst v63  }
0x17: {  	_ =	swait.ge [sflag:s12], $0x2710  }
0x18: {  	[sflag:s12] =	ssyncset.done $0x0  }
0x19: {  	s13 =	simm.s32 $0x2710;
	[sflag:s12] =	ssyncadd.s32 $0xFFFFD8F0  }
0x1a: {  	[tilespmem:s13], [sflag:$0xB] =	stream.linear.gather [hbm4b:s8+s4], $0x2710, $0x38;
	[tilespmem:$0x14E60] =	vst v63  }
0x1b: {  	_ =	swait.ge [sflag:s12], $0x2710  }
0x1c: {  	[sflag:s12] =	ssyncset.done $0x0  }
0x1d: {  	[sflag:s12] =	ssyncadd.s32 $0xFFFFD8F0  }
0x1e: {  	[bflag:$0x0] =	sbarrier.arrive $0xFFFF  }
0x1f: {  	[tilespmem:s15], [sflag:$0x1] =	stream.indirect.gather [hbm4b:s2+s14], $0x40, s4, s14, $0xb8;
	[tilespmem:$0x14E60] =	vst v63  }
0x20: {  	_ = 	snop  }
0x21: {  	[tilespmem:s16], [sflag:$0x2] =	stream.indirect.gather [hbm4b:s2+s14], $0x40, s14, s14, $0xb8;
	[tilespmem:$0x14E60] =	vst v63  }
0x22: {  	s21 =	simm.s32 $0xA0  }
0x23: {  	[tilespmem:s18], [sflag:$0x3] =	stream.indirect.gather [hbm4b:s2+s14], $0x40, s21, s14, $0xb8;
	[tilespmem:$0x14E60] =	vst v63  }
0x24: {  	s19 =	simm.s32 $0xF0  }
0x25: {  	[tilespmem:s20], [sflag:$0x4] =	stream.indirect.gather [hbm4b:s2+s14], $0x40, s19, s14, $0xb8;
	[tilespmem:$0x14E60] =	vst v63  }
0x26: {  	s21 =	simm.s32 $0x140  }
0x27: {  	[tilespmem:s22], [sflag:$0x5] =	stream.indirect.gather [hbm4b:s2+s14], $0x40, s21, s14, $0xb8;
	[tilespmem:$0x14E60] =	vst v63  }
0x28: {  	_ =	swait.ge [sflag:s23], $0x1400  }
0x29: {  	[sflag:s23] =	ssyncset.done $0x0  }
0x2a: {  	s19 =	simm.s32 $0x2710;
	[sflag:s23] =	ssyncadd.s32 $0xFFFFEC00  }
0x2b: {  	[spmem:s3] =	stream.indirect.scatter.add.f32 [tilespmem:s15], [sflag:$0x6], $0x40, s19, s14, $0xb8;
	[tilespmem:$0x14E60] =	vst v63  }
0x2c: {  	_ =	swait.ge [sflag:s24], $0x1400  }
0x2d: {  	[sflag:s24] =	ssyncset.done $0x0  }
0x2e: {  	s13 =	simm.s32 $0x2760;
	[sflag:s24] =	ssyncadd.s32 $0xFFFFEC00  }
0x2f: {  	[spmem:s3] =	stream.indirect.scatter.add.f32 [tilespmem:s16], [sflag:$0x7], $0x40, s13, s14, $0xb8;
	[tilespmem:$0x14E60] =	vst v63  }
0x30: {  	_ =	swait.ge [sflag:s25], $0x1400  }
0x31: {  	[sflag:s25] =	ssyncset.done $0x0  }
0x32: {  	s21 =	simm.s32 $0x27B0;
	[sflag:s25] =	ssyncadd.s32 $0xFFFFEC00  }
0x33: {  	[spmem:s3] =	stream.indirect.scatter.add.f32 [tilespmem:s18], [sflag:$0x8], $0x40, s21, s14, $0xb8;
	[tilespmem:$0x14E60] =	vst v63  }
0x34: {  	_ =	swait.ge [sflag:s26], $0x1400  }
0x35: {  	[sflag:s26] =	ssyncset.done $0x0  }
0x36: {  	s13 =	simm.s32 $0x2800;
	[sflag:s26] =	ssyncadd.s32 $0xFFFFEC00  }
0x37: {  	[spmem:s3] =	stream.indirect.scatter.add.f32 [tilespmem:s20], [sflag:$0x9], $0x40, s13, s14, $0xb8;
	[tilespmem:$0x14E60] =	vst v63  }
0x38: {  	_ =	swait.ge [sflag:s28], $0x1400  }
0x39: {  	[sflag:s28] =	ssyncset.done $0x0  }
0x3a: {  	s21 =	simm.s32 $0x2850;
	[sflag:s28] =	ssyncadd.s32 $0xFFFFEC00  }
0x3b: {  	[spmem:s3] =	stream.indirect.scatter.add.f32 [tilespmem:s22], [sflag:$0xA], $0x40, s21, s14, $0xb8;
	[tilespmem:$0x14E60] =	vst v63  }
0x3c: {  	_ =	swait.ge [sflag:s29], $0x1400  }
0x3d: {  	[sflag:s29] =	ssyncset.done $0x0  }
0x3e: {  	s13 =	simm.s32 $0x190;
	[sflag:s29] =	ssyncadd.s32 $0xFFFFEC00  }
0x3f: {  	[tilespmem:s15], [sflag:$0x1] =	stream.indirect.gather [hbm4b:s2+s14], $0x40, s13, s14, $0xb8;
	[tilespmem:$0x14E60] =	vst v63  }
0x40: {  	_ =	swait.ge [sflag:s30], $0x1400  }
0x41: {  	[sflag:s30] =	ssyncset.done $0x0  }
0x42: {  	s21 =	simm.s32 $0x1E0;
	[sflag:s30] =	ssyncadd.s32 $0xFFFFEC00  }
0x43: {  	[tilespmem:s16], [sflag:$0x2] =	stream.indirect.gather [hbm4b:s2+s14], $0x40, s21, s14, $0xb8;
	[tilespmem:$0x14E60] =	vst v63  }
0x44: {  	_ =	swait.ge [sflag:s31], $0x1400  }
0x45: {  	[sflag:s31] =	ssyncset.done $0x0  }
0x46: {  	s13 =	simm.s32 $0x230;
	[sflag:s31] =	ssyncadd.s32 $0xFFFFEC00  }
0x47: {  	[tilespmem:s18], [sflag:$0x3] =	stream.indirect.gather [hbm4b:s2+s14], $0x40, s13, s14, $0xb8;
	[tilespmem:$0x14E60] =	vst v63  }
0x48: {  	_ =	swait.ge [sflag:s1], $0x1400  }
0x49: {  	[sflag:s1] =	ssyncset.done $0x0  }
0x4a: {  	s21 =	simm.s32 $0x280;
	[sflag:s1] =	ssyncadd.s32 $0xFFFFEC00  }
0x4b: {  	[tilespmem:s20], [sflag:$0x4] =	stream.indirect.gather [hbm4b:s2+s14], $0x40, s21, s14, $0xb8;
	[tilespmem:$0x14E60] =	vst v63  }
0x4c: {  	_ =	swait.ge [sflag:s0], $0x1400  }
0x4d: {  	[sflag:s0] =	ssyncset.done $0x0  }
0x4e: {  	s19 =	simm.s32 $0x640;
	s21 =	simm.s32 $0x2D0;
	[sflag:s0] =	ssyncadd.s32 $0xFFFFEC00  }
.LBB2_2:
0x4f: {  	[tilespmem:s22], [sflag:$0x5] =	stream.indirect.gather [hbm4b:s2+s14], $0x40, s21, s14, $0xb8;
	[tilespmem:$0x14E60] =	vst v63  }
0x50: {  	s21 =	smov.u32 s19  }
0x51: {  	p0 =	sne.s32 s19, $0x8FC0;
	s19 =	sadd.s32 $0x640, s19;
	_ =	swait.ge [sflag:s23], $0x1400  }
0x52: {  	s21 =	sshra.s32 s21, $0x2;
	[sflag:s23] =	ssyncset.done $0x0  }
0x53: {  	s13 =	sadd.s32 $0x2710, s21;
	[sflag:s23] =	ssyncadd.s32 $0xFFFFEC00  }
0x54: {  	[spmem:s3] =	stream.indirect.scatter.add.f32 [tilespmem:s15], [sflag:$0x6], $0x40, s13, s14, $0xb8;
	[tilespmem:$0x14E60] =	vst v63  }
0x55: {  	_ =	swait.ge [sflag:s24], $0x1400  }
0x56: {  	[sflag:s24] =	ssyncset.done $0x0  }
0x57: {  	s13 =	sadd.s32 $0x2760, s21;
	[sflag:s24] =	ssyncadd.s32 $0xFFFFEC00  }
0x58: {  	[spmem:s3] =	stream.indirect.scatter.add.f32 [tilespmem:s16], [sflag:$0x7], $0x40, s13, s14, $0xb8;
	[tilespmem:$0x14E60] =	vst v63  }
0x59: {  	_ =	swait.ge [sflag:s25], $0x1400  }
0x5a: {  	[sflag:s25] =	ssyncset.done $0x0  }
0x5b: {  	s13 =	sadd.s32 $0x27B0, s21;
	[sflag:s25] =	ssyncadd.s32 $0xFFFFEC00  }
0x5c: {  	[spmem:s3] =	stream.indirect.scatter.add.f32 [tilespmem:s18], [sflag:$0x8], $0x40, s13, s14, $0xb8;
	[tilespmem:$0x14E60] =	vst v63  }
0x5d: {  	_ =	swait.ge [sflag:s26], $0x1400  }
0x5e: {  	[sflag:s26] =	ssyncset.done $0x0  }
0x5f: {  	s13 =	sadd.s32 $0x2800, s21;
	[sflag:s26] =	ssyncadd.s32 $0xFFFFEC00  }
0x60: {  	[spmem:s3] =	stream.indirect.scatter.add.f32 [tilespmem:s20], [sflag:$0x9], $0x40, s13, s14, $0xb8;
	[tilespmem:$0x14E60] =	vst v63  }
0x61: {  	_ =	swait.ge [sflag:s28], $0x1400  }
0x62: {  	[sflag:s28] =	ssyncset.done $0x0  }
0x63: {  	s13 =	sadd.s32 $0x2850, s21;
	[sflag:s28] =	ssyncadd.s32 $0xFFFFEC00  }
0x64: {  	[spmem:s3] =	stream.indirect.scatter.add.f32 [tilespmem:s22], [sflag:$0xA], $0x40, s13, s14, $0xb8;
	[tilespmem:$0x14E60] =	vst v63  }
0x65: {  	_ =	swait.ge [sflag:s29], $0x1400  }
0x66: {  	[sflag:s29] =	ssyncset.done $0x0  }
0x67: {  	s13 =	sadd.s32 $0x190, s21;
	[sflag:s29] =	ssyncadd.s32 $0xFFFFEC00  }
0x68: {  	[tilespmem:s15], [sflag:$0x1] =	stream.indirect.gather [hbm4b:s2+s14], $0x40, s13, s14, $0xb8;
	[tilespmem:$0x14E60] =	vst v63  }
0x69: {  	_ =	swait.ge [sflag:s30], $0x1400  }
0x6a: {  	[sflag:s30] =	ssyncset.done $0x0  }
0x6b: {  	s13 =	sadd.s32 $0x1E0, s21;
	[sflag:s30] =	ssyncadd.s32 $0xFFFFEC00  }
0x6c: {  	[tilespmem:s16], [sflag:$0x2] =	stream.indirect.gather [hbm4b:s2+s14], $0x40, s13, s14, $0xb8;
	[tilespmem:$0x14E60] =	vst v63  }
0x6d: {  	_ =	swait.ge [sflag:s31], $0x1400  }
0x6e: {  	[sflag:s31] =	ssyncset.done $0x0  }
0x6f: {  	s13 =	sadd.s32 $0x230, s21;
	[sflag:s31] =	ssyncadd.s32 $0xFFFFEC00  }
0x70: {  	[tilespmem:s18], [sflag:$0x3] =	stream.indirect.gather [hbm4b:s2+s14], $0x40, s13, s14, $0xb8;
	[tilespmem:$0x14E60] =	vst v63  }
0x71: {  	_ =	swait.ge [sflag:s1], $0x1400  }
0x72: {  	[sflag:s1] =	ssyncset.done $0x0  }
.Ltmp0:
0x73: {  	s13 =	sadd.s32 $0x280, s21;
	[sflag:s1] =	ssyncadd.s32 $0xFFFFEC00;
	(pc) =	sbr.rel @p0 .LBB2_2-.Ltmp0, $4  }
0x74: {  	[tilespmem:s20], [sflag:$0x4] =	stream.indirect.gather [hbm4b:s2+s14], $0x40, s13, s14, $0xb8;
	[tilespmem:$0x14E60] =	vst v63  }
0x75: {  	_ =	swait.ge [sflag:s0], $0x1400  }
0x76: {  	[sflag:s0] =	ssyncset.done $0x0  }
0x77: {  	s21 =	sadd.s32 $0x2D0, s21;
	[sflag:s0] =	ssyncadd.s32 $0xFFFFEC00  }
0x78: {  	[tilespmem:s22], [sflag:$0x5] =	stream.indirect.gather [hbm4b:s2+s14], $0x40, s21, s14, $0xb8;
	[tilespmem:$0x14E60] =	vst v63  }
0x79: {  	_ =	swait.ge [sflag:s23], $0x1400  }
0x7a: {  	[sflag:s23] =	ssyncset.done $0x0  }
0x7b: {  	s13 =	simm.s32 $0x4C90;
	[sflag:s23] =	ssyncadd.s32 $0xFFFFEC00  }
0x7c: {  	[spmem:s3] =	stream.indirect.scatter.add.f32 [tilespmem:s15], [sflag:$0x6], $0x40, s13, s14, $0xb8;
	[tilespmem:$0x14E60] =	vst v63  }
0x7d: {  	_ =	swait.ge [sflag:s24], $0x1400  }
0x7e: {  	[sflag:s24] =	ssyncset.done $0x0  }
0x7f: {  	s19 =	simm.s32 $0x4CE0;
	[sflag:s24] =	ssyncadd.s32 $0xFFFFEC00  }
0x80: {  	[spmem:s3] =	stream.indirect.scatter.add.f32 [tilespmem:s16], [sflag:$0x7], $0x40, s19, s14, $0xb8;
	[tilespmem:$0x14E60] =	vst v63  }
0x81: {  	_ =	swait.ge [sflag:s25], $0x1400  }
0x82: {  	[sflag:s25] =	ssyncset.done $0x0  }
0x83: {  	s21 =	simm.s32 $0x4D30;
	[sflag:s25] =	ssyncadd.s32 $0xFFFFEC00  }
0x84: {  	[spmem:s3] =	stream.indirect.scatter.add.f32 [tilespmem:s18], [sflag:$0x8], $0x40, s21, s14, $0xb8;
	[tilespmem:$0x14E60] =	vst v63  }
0x85: {  	_ =	swait.ge [sflag:s26], $0x1400  }
0x86: {  	[sflag:s26] =	ssyncset.done $0x0  }
0x87: {  	s19 =	simm.s32 $0x4D80;
	[sflag:s26] =	ssyncadd.s32 $0xFFFFEC00  }
0x88: {  	[spmem:s3] =	stream.indirect.scatter.add.f32 [tilespmem:s20], [sflag:$0x9], $0x40, s19, s14, $0xb8;
	[tilespmem:$0x14E60] =	vst v63  }
0x89: {  	_ =	swait.ge [sflag:s28], $0x1400  }
0x8a: {  	[sflag:s28] =	ssyncset.done $0x0  }
0x8b: {  	s21 =	simm.s32 $0x4DD0;
	[sflag:s28] =	ssyncadd.s32 $0xFFFFEC00  }
0x8c: {  	[spmem:s3] =	stream.indirect.scatter.add.f32 [tilespmem:s22], [sflag:$0xA], $0x40, s21, s14, $0xb8;
	[tilespmem:$0x14E60] =	vst v63  }
0x8d: {  	_ =	swait.ge [sflag:s29], $0x1400  }
0x8e: {  	[sflag:s29] =	ssyncset.done $0x0  }
0x8f: {  	[sflag:s29] =	ssyncadd.s32 $0xFFFFEC00  }
0x90: {  	_ =	swait.ge [sflag:s30], $0x1400  }
0x91: {  	[sflag:s30] =	ssyncset.done $0x0  }
0x92: {  	[sflag:s30] =	ssyncadd.s32 $0xFFFFEC00  }
0x93: {  	_ =	swait.ge [sflag:s31], $0x1400  }
0x94: {  	[sflag:s31] =	ssyncset.done $0x0  }
0x95: {  	[sflag:s31] =	ssyncadd.s32 $0xFFFFEC00  }
0x96: {  	_ =	swait.ge [sflag:s1], $0x1400  }
0x97: {  	[sflag:s1] =	ssyncset.done $0x0  }
0x98: {  	[sflag:s1] =	ssyncadd.s32 $0xFFFFEC00  }
0x99: {  	_ =	swait.ge [sflag:s0], $0x1400  }
0x9a: {  	s17 =	sadd.s32 $0x1, s17;
	[sflag:s0] =	ssyncset.done $0x0  }
0x9b: {  	p0 =	sne.s32 s17, s10;
	[sflag:s0] =	ssyncadd.s32 $0xFFFFEC00  }
.Ltmp1:
0x9c: {  	[bflag:$0x0] =	sbarrier.arrive $0xFFFF;
	(pc) =	sbr.rel @p0 .LBB2_1-.Ltmp1, $4  }
0x9d: {  	[hbm:s9], [sflag:s6] =	dma.local [spmem:s11], $0x1388  }
0x9e: {  	_ =	swait.ge [sflag:s12], $0x1388  }
0x9f: {  	[sflag:s12] =	ssyncset.done $0x0  }
0xa0: {  	[sflag:s12] =	ssyncadd.s32 $0xFFFFEC78  }
0xa1: {  	_ =	sfence.sel $0x180000  }
0xa2: {  	[bflag:$0x0] =	sbarrier.arrive $0xFFFF  }
0xa3: {  	_ =	strace $0x9000004A  }
0xa4: {  	s0 =	stileid.u32;
	[bflag:$0x2] =	sbarrier.arrive $0xFFFF  }
0xa5: {  	p0 =	sne.s32 s0, $0x0;
	s0 =	rddreg [dreg:$0x3]  }
0xa6: {  	s0 =	sadd.s32 @!p0 $0x100000, s0  }
0xa7: {  	[sflag:s0] =	ssyncadd.tile.s32 @!p0 $0x1;
	_ =	shalt  }
.Lfunc_end2:
_tile_overlayer_lowered:
.L_overlay_start_2:
0xa8: {  	(tag) =	ssettag $0x2  }
0xa9: {  	s0 =	rddreg [dreg:$0x0];
	s2 =	stileid.u32  }
0xaa: {  	s1 =	rddreg [dreg:$0x1];
	p0 =	sne.s32 s2, $0x0  }
0xab: {  	s3 =	rddreg [dreg:$0x2];
	[bflag:$0x3] =	sbarrier.arrive $0xFFFF;
	s2 =	simm.s32 @!p0 $0x1C0B  }
0xac: {  	[timem:s3], [sflag:s2] =	dma.local @!p0 [hbm:s0], s1  }
0xad: {  	s0 =	simm.s32 @!p0 $0xB  }
0xae: {  	_ =	swait.ge @!p0 [sflag:s0], s1  }
0xaf: {  	s1 =	ssub.s32 @!p0 $0x0, s1;
	[sflag:s0] =	ssyncset.done @!p0 $0x0  }
0xb0: {  	[sflag:s0] =	ssyncadd.s32 @!p0 s1  }
0xb1: {  	[bflag:$0x3] =	sbarrier.arrive $0xFFFF  }
0xb2: {  	_ =	shalt  }

// kernel: kernel.7.cloned.1.call-start
scs
__scs_entry_jumppad:
0x0: {  	(pc) =	sbr.rel $0x88, $3  }
0x1: {  	(tag) =	ssettag $0x0;
	lr =	simm.s32 $0x1  }
0x2: {  	[smem:$0x3F9B] =	sst lr;
	_ =	strace $0xD0000000  }
0x3: {  	_ = 	snop  }
0x4: {  	_ = 	snop  }
0x5: {  	_ = 	snop  }
0x6: {  	_ = 	snop  }
0x7: {  	_ = 	snop  }
__scs_overlays_trampoline_lowered:
0x8: {  	[smem:$0x3FAA] =	sst s0  }
0x9: {  	[smem:$0x3FAB] =	sst s1  }
0xa: {  	[smem:$0x3FAC] =	sst s2  }
0xb: {  	[smem:$0x3FAD] =	sst s3  }
0xc: {  	[smem:$0x3FAE] =	sst s4  }
0xd: {  	[smem:$0x3FAF] =	sst s5  }
0xe: {  	[smem:$0x3FB0] =	sst s6  }
0xf: {  	[smem:$0x3FB1] =	sst s7  }
0x10: {  	[smem:$0x3FB2] =	sst s8  }
0x11: {  	[smem:$0x3FB3] =	sst s9;
	s0 =	simm.s32 @!p0 $0x0  }
0x12: {  	s1 =	sld [smem:$0x3F99];
	s0 =	simm.s32 @p0 $0x1  }
0x13: {  	[smem:$0x3FB4] =	sst s0;
	s0 =	simm.s32 @!p1 $0x0  }
0x14: {  	s2 =	sld [smem:$0x3F98];
	s0 =	simm.s32 @p1 $0x1  }
0x15: {  	[smem:$0x3FB5] =	sst s0;
	s0 =	simm.s32 @!p2 $0x0  }
0x16: {  	s3 =	sld [smem:$0x3FDB];
	s0 =	simm.s32 @p2 $0x1  }
0x17: {  	s4 =	simm.s32 $0x1BF5;
	[smem:$0x3FB7] =	sst s0  }
0x18: {  	s0 =	sld [smem:$0x3F9A];
	_ =	swait.ge [sflag:s4], $0x0  }
0x19: {  	s7 =	sld [smem:$0x3F9B]  }
0x1a: {  	s8 =	sadd.s32 $0xFFFFE003, lr  }
0x1b: {  	s9 =	sadd.s32 $0xFFFFFEF7, lr;
	s5 =	simm.s32 $0xFFFFFFFF;
	p2 =	slt.u32 s8, $0xFFFFF086  }
0x1c: {  	p1 =	slt.u32 s9, $0xF7A;
	s5 =	simm.s32 @!p2 $0x0  }
0x1d: {  	s5 =	simm.s32 @p1 $0x1;
	p0 =	seq.s32 s7, s2  }
0x1e: {  	s7 =	smul.u32 @!p0 $0xF7A, s2;
	p2 =	seq.s32 @!p0 s5, $0x0  }
0x1f: {  	s9 =	smul.u32 $0xF7A, s1;
	s8 =	simm.s32 @!p0 $0x1BF5;
	p2 =	por !p2, p0  }
0x20: {  	[sflag:s8] =	ssyncset.s32 @!p0 $0xFFFFF086;
	s6 =	sadd.s32 @!p0 s3, s7;
	s7 =	simm.s32 @!p0 $0x108  }
0x21: {  	s3 =	sadd.s32 s3, s9;
	s6 =	sadd.s32 @!p0 $0x88, s6;
	s7 =	simm.s32 @p2 $0x1082  }
0x22: {  	[simem:s7], [sflag:s8] =	dma.local @!p0 [hbm:s6], $0xF7A  }
0x23: {  	s9 =	sor.u32 $0xD0000000, s2;
	s6 =	simm.s32 $0x108;
	_ =	swait.ge @!p0 [sflag:s8], $0x0  }
0x24: {  	s3 =	sadd.s32 $0x88, s3;
	s6 =	simm.s32 @!p1 $0x1082;
	[sflag:s4] =	ssyncset.s32 $0xFFFFF086  }
0x25: {  	[simem:s6], [sflag:s4] =	dma.local [hbm:s3], $0xF7A  }
0x26: {  	[smem:$0x3F9B] =	sst s1;
	(tag) =	ssettag s2;
	_ =	strace s9  }
0x27: {  	s1 =	sld [smem:$0x3FAB]  }
0x28: {  	s2 =	sld [smem:$0x3FAC]  }
0x29: {  	s4 =	sld [smem:$0x3FAE]  }
0x2a: {  	p0 =	seq.s32 s5, $0x0;
	s5 =	sld [smem:$0x3FAF]  }
0x2b: {  	s6 =	sld [smem:$0x3FB0]  }
0x2c: {  	s7 =	sld [smem:$0x3FB1]  }
0x2d: {  	s3 =	simm.s32 $0x108;
	s8 =	sld [smem:$0x3FB2]  }
0x2e: {  	s3 =	simm.s32 @!p0 $0x1082;
	s9 =	sld [smem:$0x3FB3]  }
0x2f: {  	lr =	sadd.s32 s0, s3;
	s0 =	sld [smem:$0x3FAA]  }
0x30: {  	s3 =	sld [smem:$0x3FAD]  }
0x31: {  	[smem:$0x3FB6] =	sst s10  }
0x32: {  	s10 =	sld [smem:$0x3FB4];
	_ =	sdelay $0x3  }
0x33: {  	p0 =	seq.s32 s10, $0x1;
	s10 =	sld [smem:$0x3FB6];
	_ =	sdelay $0x3  }
0x34: {  	[smem:$0x3FB6] =	sst s10  }
0x35: {  	s10 =	sld [smem:$0x3FB5];
	_ =	sdelay $0x3  }
0x36: {  	p1 =	seq.s32 s10, $0x1;
	s10 =	sld [smem:$0x3FB6];
	_ =	sdelay $0x3  }
0x37: {  	[smem:$0x3FB6] =	sst s10  }
0x38: {  	s10 =	sld [smem:$0x3FB7]  }
0x39: {  	_ = 	snop;
	(pc) =	sbr.ind lr, $3  }
0x3a: {  	_ = 	snop  }
0x3b: {  	_ = 	snop  }
0x3c: {  	p2 =	seq.s32 s10, $0x1;
	s10 =	sld [smem:$0x3FB6]  }
0x3d: {  	_ =	shalt  }
0x3e: {  	_ =	shalt  }
0x3f: {  	_ =	shalt  }
0x40: {  	_ =	shalt  }
0x41: {  	_ =	shalt  }
0x42: {  	_ =	shalt  }
0x43: {  	_ =	shalt  }
0x44: {  	_ =	shalt  }
0x45: {  	_ =	shalt  }
0x46: {  	_ =	shalt  }
0x47: {  	_ =	shalt  }
0x48: {  	_ =	shalt  }
0x49: {  	_ =	shalt  }
0x4a: {  	_ =	shalt  }
0x4b: {  	_ =	shalt  }
0x4c: {  	_ =	shalt  }
0x4d: {  	_ =	shalt  }
0x4e: {  	_ =	shalt  }
0x4f: {  	_ =	shalt  }
0x50: {  	_ =	shalt  }
0x51: {  	_ =	shalt  }
0x52: {  	_ =	shalt  }
0x53: {  	_ =	shalt  }
0x54: {  	_ =	shalt  }
0x55: {  	_ =	shalt  }
0x56: {  	_ =	shalt  }
0x57: {  	_ =	shalt  }
0x58: {  	_ =	shalt  }
0x59: {  	_ =	shalt  }
0x5a: {  	_ =	shalt  }
0x5b: {  	_ =	shalt  }
0x5c: {  	_ =	shalt  }
0x5d: {  	_ =	shalt  }
0x5e: {  	_ =	shalt  }
0x5f: {  	_ =	shalt  }
0x60: {  	_ =	shalt  }
0x61: {  	_ =	shalt  }
0x62: {  	_ =	shalt  }
0x63: {  	_ =	shalt  }
0x64: {  	_ =	shalt  }
0x65: {  	_ =	shalt  }
0x66: {  	_ =	shalt  }
0x67: {  	_ =	shalt  }
0x68: {  	_ =	shalt  }
0x69: {  	_ =	shalt  }
0x6a: {  	_ =	shalt  }
0x6b: {  	_ =	shalt  }
0x6c: {  	_ =	shalt  }
0x6d: {  	_ =	shalt  }
0x6e: {  	_ =	shalt  }
0x6f: {  	_ =	shalt  }
0x70: {  	_ =	shalt  }
0x71: {  	_ =	shalt  }
0x72: {  	_ =	shalt  }
0x73: {  	_ =	shalt  }
0x74: {  	_ =	shalt  }
0x75: {  	_ =	shalt  }
0x76: {  	_ =	shalt  }
0x77: {  	_ =	shalt  }
0x78: {  	_ =	shalt  }
0x79: {  	_ =	shalt  }
0x7a: {  	_ =	shalt  }
0x7b: {  	_ =	shalt  }
0x7c: {  	_ =	shalt  }
0x7d: {  	_ =	shalt  }
0x7e: {  	_ =	shalt  }
0x7f: {  	_ =	shalt  }
0x80: {  	_ =	shalt  }
0x81: {  	_ =	shalt  }
0x82: {  	_ =	shalt  }
0x83: {  	_ =	shalt  }
0x84: {  	_ =	shalt  }
0x85: {  	_ =	shalt  }
0x86: {  	_ =	shalt  }
0x87: {  	_ =	shalt  }
.Lfunc_end0:
.L_simem_size_0:
called_computation_lowered:
.L_overlay_start_0:
0x88: {  	s2 =	sld [smem:$0x3FD9]  }
0x89: {  	s3 =	sld [smem:$0x3FFE];
	_ =	sdelay $0x1  }
0x8a: {  	s1 =	srdreg.scid  }
0x8b: {  	s0 =	sand.u32 $0x1, s1  }
0x8c: {  	s14 =	sshll.u32 s0, $0xA;
	s2 =	sadd.s32 s3, s2  }
0x8d: {  	s2 =	sadd.s32 s2, s14  }
0x8e: {  	[smem:$0x3FC2] =	sst s2  }
0x8f: {  	_ = 	snop  }
0x90: {  	s2 =	sld [smem:$0x3FD0];
	_ =	sdelay $0x2  }
0x91: {  	s15 =	simm.s32 $0xA;
	s4 =	simm.s32 $0x10  }
0x92: {  	[smem:s4], [sflag:s15] =	dma.local [hbm:s2], $0x1  }
0x93: {  	_ =	swait.eq [sflag:s15], $0x1  }
0x94: {  	s16 =	sld [smem:$0x11];
	[sflag:s15] =	ssyncset.done $0x0  }
0x95: {  	s17 =	sld [smem:$0x12];
	[sflag:s15] =	ssyncadd.s32 $0xFFFFFFFF  }
0x96: {  	s18 =	sld [smem:$0x13];
	(tm) =	ssettm $0x1  }
0x97: {  	s5 =	sld [smem:$0x3FFB];
	_ =	sdelay $0x3  }
0x98: {  	_ =	strace s5  }
0x99: {  	s5 =	sld [smem:$0x3FFC];
	_ =	sdelay $0x3  }
0x9a: {  	_ =	strace s5  }
0x9b: {  	s5 =	sld [smem:$0x3FFD];
	_ =	sdelay $0x3  }
0x9c: {  	_ =	strace s5  }
0x9d: {  	_ =	strace $0x8FFFFFFF  }
0x9e: {  	s19 =	sld [smem:$0x3FDB];
	_ =	sdelay $0x1  }
0x9f: {  	s6 =	simm.s32 $_scs_section_size  }
0xa0: {  	s7 =	simm.s32 $_size__tile_overlayer_lowered;
	s8 =	simm.s32 $_tile_overlayer_lowered  }
0xa1: {  	s22 =	simm.s32 $0x1BFF;
	s21 =	sshll.u32 s8, $0x1;
	s5 =	sadd.s32 s6, s19  }
0xa2: {  	s9 =	simm.s32 $0x0;
	s20 =	sshll.u32 s7, $0x1;
	s7 =	sadd.s32 s21, s5  }
0xa3: {  	[timem:s9], [sflag:s22] =	dma.local [hbm:s7], s20  }
0xa4: {  	_ =	swait.ge [sflag:s22], s20  }
0xa5: {  	s6 =	ssub.s32 $0x0, s20;
	[sflag:s22] =	ssyncset.done $0x0  }
0xa6: {  	[sflag:s22] =	ssyncadd.s32 s6;
	_ =	sdelay $0x1  }
0xa7: {  	s23 =	simm.s32 $0x1B8B  }
0xa8: {  	_ =	swait.ge [sflag:s23], $0x1  }
0xa9: {  	[sflag:s23] =	ssyncset.done $0x0  }
0xaa: {  	s25 =	simm.s32 $0x1B8E;
	s24 =	sld [smem:$0x3FFE];
	[sflag:s23] =	ssyncadd.s32 $0xFFFFFFFF  }
0xab: {  	s26 =	simm.s32 $execute0_lowered;
	[smem:$0x3FD2] =	sst s25  }
0xac: {  	s7 =	sshll.u32 s26, $0x1;
	_ =	strace $0x80000046;
	[dreg:$0x1] =	wrdreg $0xFFFFFFFF  }
0xad: {  	s28 =	simm.s32 $_size_execute0_lowered;
	s5 =	sadd.s32 s5, s7;
	[dreg:$0x0] =	wrdreg $0x0  }
0xae: {  	s7 =	sshll.u32 s28, $0x1;
	[dreg:$0x2] =	wrdreg s5  }
0xaf: {  	[dreg:$0x3] =	wrdreg s7  }
0xb0: {  	[dreg:$0x4] =	wrdreg $0xC0  }
0xb1: {  	_ =	task [dreg:s9], $0x5FFFF  }
0xb2: {  	[dreg:$0x1] =	wrdreg $0xFFFFFFFF  }
0xb3: {  	[dreg:$0x0] =	wrdreg $0x60  }
0xb4: {  	[dreg:$0x2] =	wrdreg s16  }
0xb5: {  	[dreg:$0x3] =	wrdreg s24  }
0xb6: {  	[dreg:$0x4] =	wrdreg s17  }
0xb7: {  	[dreg:$0x5] =	wrdreg s18  }
0xb8: {  	[dreg:$0x6] =	wrdreg $0xB7200  }
0xb9: {  	[dreg:$0x7] =	wrdreg $0x153600  }
0xba: {  	[dreg:$0x8] =	wrdreg $0x9  }
0xbb: {  	_ =	task.clear_ibuf [dreg:s9], $0x9FFFF;
	_ =	strace $0x90000046  }
0xbc: {  	s29 =	simm.s32 $0x9;
	_ =	strace $0x80000048  }
0xbd: {  	_ =	swait.ge [sflag:s29], $0x1  }
0xbe: {  	[sflag:s29] =	ssyncadd.s32 $0xFFFFFFFF  }
0xbf: {  	_ =	strace $0x90000048  }
0xc0: {  	_ =	sfence  }
0xc1: {  	s30 =	sld [smem:$0x0];
	_ =	sdelay $0x2  }
0xc2: {  	s31 =	sshll.u32 s1, $0xD;
	s1 =	sshrl.u32 s1, $0x2  }
0xc3: {  	s3 =	sand.u32 $0x4000, s31;
	s1 =	sadd.s32 s1, s30  }
0xc4: {  	s0 =	sor.u32 s3, s0;
	s1 =	sshll.u32 s1, $0x11  }
0xc5: {  	s0 =	sor.u32 s1, s0  }
0xc6: {  	s0 =	sadd.s32 $0x8F2B, s0  }
0xc7: {  	[sflag:s0] =	ssyncadd.remote.s32 $0x1  }
0xc8: {  	_ =	sfence.sel $0xFFFF  }
0xc9: {  	[dreg:$0x0] =	wrdreg $0xFFFFFFFF;
	(pc) =	sbr.abs _section_cstart, $3  }
0xca: {  	[dreg:$0x1] =	wrdreg $0xFFFFFFFF  }
0xcb: {  	_ =	task.clear_ibuf [dreg:s9], $0x2FFFF;
	_ =	strace $0x9FFFFFFF  }
0xcc: {  	(tm) =	ssettm $0x7FFFFFFF  }
0xcd: {  	_ =	shalt  }
tec
execute0_lowered:
.L_overlay_start_1:
0x0: {  	(tag) =	ssettag $0x1  }
0x1: {  	s1 =	rddreg [dreg:$0x0]  }
0x2: {  	s2 =	rddreg [dreg:$0x1]  }
0x3: {  	s0 =	srdreg.scid;
	s5 =	rddreg [dreg:$0x4]  }
0x4: {  	s7 =	stileid.u32;
	s6 =	rddreg [dreg:$0x5]  }
0x5: {  	s9 =	simm.s32 $0x0;
	s16 =	simm.s32 $0xC;
	s19 =	simm.s32 $0xB220  }
0x6: {  	s20 =	simm.s32 $0x50;
	s21 =	simm.s32 $0x4E20;
	s29 =	simm.s32 $0x9E20  }
0x7: {  	s30 =	simm.s32 $0x1;
	s31 =	simm.s32 $0x2;
	s18 =	simm.s32 $0xB  }
0x8: {  	s28 =	simm.s32 $0x0;
	s0 =	sand.u32 $0x1, s0;
	s4 =	smul.u32 $0x9C40, s7  }
0x9: {  	s10 =	smul.u32 $0x2710, s7;
	[smem:$0x7FF] =	sst s9;
	s11 =	sadd.s32 $0x14E00, s2  }
0xa: {  	s24 =	sshll.u32 s7, $0x6;
	s3 =	sshll.u32 s0, $0x4;
	s8 =	smul.u32 $0x9C400, s0  }
0xb: {  	s22 =	smul.u32 $0x27100, s0;
	_ =	strace $0x80000047;
	s0 =	ssub.s32 $0x2, s0  }
0xc: {  	[dreg:$0x7] =	wrdreg s11;
	s3 =	sor.u32 s7, s3;
	s23 =	sshrl.u32 s0, $0x1  }
0xd: {  	s3 =	smul.u32 $0x2710, s3;
	s8 =	sadd.s32 s4, s8;
	s9 =	sadd.s32 s10, s22  }
0xe: {  	s0 =	ssub.s32 s0, s23;
	s4 =	sadd.s32 s4, s5;
	s10 =	sadd.s32 s10, s6  }
0xf: {  	s22 =	simm.s32 $0x6220;
	s23 =	simm.s32 $0x8;
	s8 =	sshrl.u32 s8, $0x3  }
0x10: {  	s9 =	sshrl.u32 s9, $0x3;
	s0 =	smax.u32 s0, $0x1;
	s10 =	sshrl.u32 s10, $0x3  }
0x11: {  	s3 =	sshrl.u32 s3, $0x3;
	s8 =	sadd.s32 s8, s2;
	[dreg:$0xc] =	wrdreg s0  }
0x12: {  	s0 =	simm.s32 $0x4;
	[dreg:$0xd] =	wrdreg s10;
	s3 =	sadd.s32 s3, s2  }
0x13: {  	s2 =	sadd.s32 s9, s2;
	s9 =	sor.u32 $0x1C0C, s24;
	s26 =	sadd.s32 $0x16200, s8  }
.Ltmp0:
0x14: {  	s25 =	sadd.s32 $0x1400, s3;
	[dreg:$0xa] =	wrdreg s26;
	(pc) =	sbr.rel .LBB2_1-.Ltmp0, $4  }
0x15: {  	s8 =	sshrl.u32 s4, $0x3;
	s3 =	sadd.s32 $0xB040, s3;
	[dreg:$0x8] =	wrdreg s25  }
0x16: {  	s24 =	simm.s32 $0x7620;
	s2 =	sadd.s32 $0x3D400, s2;
	[dreg:$0x9] =	wrdreg s3  }
0x17: {  	s4 =	simm.s32 $0x6;
	s26 =	simm.s32 $0x8A20;
	[dreg:$0xb] =	wrdreg s2  }
0x18: {  	s3 =	simm.s32 $0x3;
	s2 =	simm.s32 $0x5;
	s25 =	simm.s32 $0xA  }
.LBB2_4:
0x19: {  	[bflag:$0x0] =	sbarrier.arrive $0xFFFF  }
0x1a: {  	s7 =	rddreg [dreg:$0xa]  }
0x1b: {  	[hbm:s7], [sflag:s9] =	dma.local [spmem:s17], $0x1388  }
0x1c: {  	_ =	swait.ge [sflag:s16], $0x1388  }
0x1d: {  	[sflag:s16] =	ssyncset.done $0x0;
	s15 =	rddreg [dreg:$0xb]  }
0x1e: {  	s10 =	rddreg [dreg:$0xd];
	[sflag:s16] =	ssyncadd.s32 $0xFFFFEC78  }
0x1f: {  	[hbm:s15], [sflag:s9] =	dma.local [spmem:s10], $0x4E2  }
0x20: {  	_ =	swait.ge [sflag:s16], $0x4E2  }
0x21: {  	s8 =	smov.u32 s17;
	s28 =	sadd.s32 $0x1, s28;
	s17 =	rddreg [dreg:$0xc]  }
0x22: {  	p0 =	sne.s32 s28, s17  }
.Ltmp1:
0x23: {  	_ = 	snop;
	(pc) =	sbr.rel @!p0 .LBB2_5-.Ltmp1, $3  }
0x24: {  	_ =	sdelay $0x1  }
0x25: {  	[sflag:s16] =	ssyncset.done $0x0  }
0x26: {  	[sflag:s16] =	ssyncadd.s32 $0xFFFFFB1E  }
.LBB2_1:
0x27: {  	s7 =	rddreg [dreg:$0x7]  }
0x28: {  	[spmem:s8], [sflag:s9] =	dma.local [hbm:s7], $0x1388  }
0x29: {  	_ =	swait.ge [sflag:s16], $0x1388  }
0x2a: {  	[sflag:s16] =	ssyncset.done $0x0  }
0x2b: {  	[sflag:s16] =	ssyncadd.s32 $0xFFFFEC78  }
0x2c: {  	s13 =	rddreg [dreg:$0x2]  }
0x2d: {  	[spmem:s10], [sflag:s9] =	dma.local [hbm:s13], $0x4E2  }
0x2e: {  	_ =	swait.ge [sflag:s16], $0x4E2  }
0x2f: {  	[sflag:s16] =	ssyncset.done $0x0  }
0x30: {  	s14 =	simm.s32 $0x0;
	s15 =	rddreg [dreg:$0x8];
	[sflag:s16] =	ssyncadd.s32 $0xFFFFFB1E  }
0x31: {  	[tilespmem:s14], [sflag:$0xC] =	stream.linear.gather [hbm4b:s15+s14], $0x2710, $0x38;
	[tilespmem:$0x17A70] =	vst v63  }
0x32: {  	_ =	swait.ge [sflag:s16], $0x2710  }
0x33: {  	[sflag:s16] =	ssyncset.done $0x0  }
0x34: {  	s11 =	simm.s32 $0x2710;
	s10 =	rddreg [dreg:$0x9];
	[sflag:s16] =	ssyncadd.s32 $0xFFFFD8F0  }
0x35: {  	[tilespmem:s11], [sflag:$0xC] =	stream.linear.gather [hbm4b:s10+s14], $0x2710, $0x38;
	[tilespmem:$0x17A70] =	vst v63  }
0x36: {  	_ =	swait.ge [sflag:s16], $0x2710  }
0x37: {  	[sflag:s16] =	ssyncset.done $0x0  }
0x38: {  	[sflag:s16] =	ssyncadd.s32 $0xFFFFD8F0  }
0x39: {  	s12 =	rddreg [dreg:$0x3]  }
0x3a: {  	[tilespmem:s19], [sflag:$0xC] =	stream.linear.gather [hbm4b:s12+s14], $0x500, $0x38;
	[tilespmem:$0x17A70] =	vst v63  }
0x3b: {  	_ =	swait.ge [sflag:s16], $0x500  }
0x3c: {  	[sflag:s16] =	ssyncset.done $0x0  }
0x3d: {  	[sflag:s16] =	ssyncadd.s32 $0xFFFFFB00  }
0x3e: {  	[bflag:$0x0] =	sbarrier.arrive $0xFFFF  }
0x3f: {  	[tilespmem:s21], [sflag:$0x1] =	stream.indirect.gather [hbm4b:s1+s20], $0x40, s14, s20, $0xb8;
	[tilespmem:$0x17A70] =	vst v63  }
0x40: {  	_ = 	snop  }
0x41: {  	[tilespmem:s22], [sflag:$0x2] =	stream.indirect.gather [hbm4b:s1+s20], $0x40, s20, s20, $0xb8;
	[tilespmem:$0x17A70] =	vst v63  }
0x42: {  	s13 =	simm.s32 $0xA0  }
0x43: {  	[tilespmem:s24], [sflag:$0x3] =	stream.indirect.gather [hbm4b:s1+s20], $0x40, s13, s20, $0xb8;
	[tilespmem:$0x17A70] =	vst v63  }
0x44: {  	s14 =	simm.s32 $0xF0  }
0x45: {  	[tilespmem:s26], [sflag:$0x4] =	stream.indirect.gather [hbm4b:s1+s20], $0x40, s14, s20, $0xb8;
	[tilespmem:$0x17A70] =	vst v63  }
0x46: {  	s17 =	smov.u32 s8;
	s8 =	simm.s32 $0x0;
	s15 =	simm.s32 $0x140  }
0x47: {  	[tilespmem:s29], [sflag:$0x5] =	stream.indirect.gather [hbm4b:s1+s20], $0x40, s15, s20, $0xb8;
	[tilespmem:$0x17A70] =	vst v63  }
.LBB2_2:
0x48: {  	_ =	swait.ge [sflag:s30], $0x1400  }
0x49: {  	s10 =	sshra.s32 s8, $0x2;
	[sflag:s30] =	ssyncset.done $0x0  }
0x4a: {  	s11 =	sadd.s32 $0x2710, s10;
	[sflag:s30] =	ssyncadd.s32 $0xFFFFEC00  }
0x4b: {  	[spmem:s5] =	stream.indirect.scatter.add.f32 [tilespmem:s21], [sflag:$0x6], $0x40, s11, s20, $0xb8;
	[tilespmem:$0x17A70] =	vst v63  }
0x4c: {  	_ = 	snop  }
0x4d: {  	[spmem:s6] =	stream.indirect.scatter.add.f32 [tilespmem:s19], [sflag:$0xB], $0x10, s11, s20, $0xb8;
	[tilespmem:$0x17A70] =	vst v63  }
0x4e: {  	_ =	swait.ge [sflag:s31], $0x1400  }
0x4f: {  	[sflag:s31] =	ssyncset.done $0x0  }
0x50: {  	s12 =	sadd.s32 $0x2760, s10;
	[sflag:s31] =	ssyncadd.s32 $0xFFFFEC00  }
0x51: {  	[spmem:s5] =	stream.indirect.scatter.add.f32 [tilespmem:s22], [sflag:$0x7], $0x40, s12, s20, $0xb8;
	[tilespmem:$0x17A70] =	vst v63  }
0x52: {  	_ = 	snop  }
0x53: {  	[spmem:s6] =	stream.indirect.scatter.add.f32 [tilespmem:s19], [sflag:$0xB], $0x10, s12, s20, $0xb8;
	[tilespmem:$0x17A70] =	vst v63  }
0x54: {  	_ =	swait.ge [sflag:s3], $0x1400  }
0x55: {  	[sflag:s3] =	ssyncset.done $0x0  }
0x56: {  	s13 =	sadd.s32 $0x27B0, s10;
	[sflag:s3] =	ssyncadd.s32 $0xFFFFEC00  }
0x57: {  	[spmem:s5] =	stream.indirect.scatter.add.f32 [tilespmem:s24], [sflag:$0x8], $0x40, s13, s20, $0xb8;
	[tilespmem:$0x17A70] =	vst v63  }
0x58: {  	_ = 	snop  }
0x59: {  	[spmem:s6] =	stream.indirect.scatter.add.f32 [tilespmem:s19], [sflag:$0xB], $0x10, s13, s20, $0xb8;
	[tilespmem:$0x17A70] =	vst v63  }
0x5a: {  	_ =	swait.ge [sflag:s0], $0x1400  }
0x5b: {  	[sflag:s0] =	ssyncset.done $0x0  }
0x5c: {  	s14 =	sadd.s32 $0x2800, s10;
	[sflag:s0] =	ssyncadd.s32 $0xFFFFEC00  }
0x5d: {  	[spmem:s5] =	stream.indirect.scatter.add.f32 [tilespmem:s26], [sflag:$0x9], $0x40, s14, s20, $0xb8;
	[tilespmem:$0x17A70] =	vst v63  }
0x5e: {  	_ = 	snop  }
0x5f: {  	[spmem:s6] =	stream.indirect.scatter.add.f32 [tilespmem:s19], [sflag:$0xB], $0x10, s14, s20, $0xb8;
	[tilespmem:$0x17A70] =	vst v63  }
0x60: {  	_ =	swait.ge [sflag:s2], $0x1400  }
0x61: {  	[sflag:s2] =	ssyncset.done $0x0  }
0x62: {  	s15 =	sadd.s32 $0x2850, s10;
	[sflag:s2] =	ssyncadd.s32 $0xFFFFEC00  }
0x63: {  	[spmem:s5] =	stream.indirect.scatter.add.f32 [tilespmem:s29], [sflag:$0xA], $0x40, s15, s20, $0xb8;
	[tilespmem:$0x17A70] =	vst v63  }
0x64: {  	_ = 	snop  }
0x65: {  	[spmem:s6] =	stream.indirect.scatter.add.f32 [tilespmem:s19], [sflag:$0xB], $0x10, s15, s20, $0xb8;
	[tilespmem:$0x17A70] =	vst v63  }
0x66: {  	_ =	swait.ge [sflag:s4], $0x1400  }
0x67: {  	[sflag:s4] =	ssyncset.done $0x0  }
0x68: {  	[sflag:s4] =	ssyncadd.s32 $0xFFFFEC00  }
0x69: {  	_ =	swait.ge [sflag:s18], $0x500  }
0x6a: {  	p0 =	seq.s32 s8, $0x9600;
	[sflag:s18] =	ssyncset.done $0x0  }
0x6b: {  	s11 =	simm.s32 @p0 $0x7;
	[sflag:s18] =	ssyncadd.s32 $0xFFFFFB00  }
0x6c: {  	_ =	swait.ge @p0 [sflag:s11], $0x1400  }
0x6d: {  	[sflag:s11] =	ssyncset.done @p0 $0x0  }
0x6e: {  	[sflag:s11] =	ssyncadd.s32 @p0 $0xFFFFEC00;
	s11 =	simm.s32 @p0 $0xB  }
0x6f: {  	_ =	swait.ge @p0 [sflag:s11], $0x500  }
0x70: {  	s7 =	simm.s32 @!p0 $0x4E20;
	s12 =	sshra.s32 @!p0 s8, $0x2;
	[sflag:s11] =	ssyncset.done @p0 $0x0  }
0x71: {  	s13 =	sadd.s32 @!p0 $0x190, s12;
	s14 =	simm.s32 @!p0 $0x50;
	[sflag:s11] =	ssyncadd.s32 @p0 $0xFFFFFB00  }
0x72: {  	[tilespmem:s7], [sflag:$0x1] =	stream.indirect.gather @!p0 [hbm4b:s1+s14], $0x40, s13, s14, $0xb8;
	[tilespmem:$0x17A70] =	vst v63  }
0x73: {  	s7 =	simm.s32 @!p0 $0x7  }
0x74: {  	_ =	swait.ge @!p0 [sflag:s7], $0x1400  }
0x75: {  	[sflag:s7] =	ssyncset.done @!p0 $0x0  }
0x76: {  	[sflag:s7] =	ssyncadd.s32 @!p0 $0xFFFFEC00;
	s7 =	simm.s32 @!p0 $0xB  }
0x77: {  	_ =	swait.ge @!p0 [sflag:s7], $0x500  }
0x78: {  	[sflag:s7] =	ssyncset.done @!p0 $0x0  }
0x79: {  	s15 =	simm.s32 @!p0 $0x6220;
	s13 =	sadd.s32 @!p0 $0x1E0, s12;
	[sflag:s7] =	ssyncadd.s32 @!p0 $0xFFFFFB00  }
0x7a: {  	[tilespmem:s15], [sflag:$0x2] =	stream.indirect.gather @!p0 [hbm4b:s1+s14], $0x40, s13, s14, $0xb8;
	[tilespmem:$0x17A70] =	vst v63  }
0x7b: {  	_ =	swait.ge [sflag:s23], $0x1400  }
0x7c: {  	[sflag:s23] =	ssyncset.done $0x0  }
0x7d: {  	[sflag:s23] =	ssyncadd.s32 $0xFFFFEC00  }
0x7e: {  	_ =	swait.ge [sflag:s18], $0x500  }
0x7f: {  	[sflag:s18] =	ssyncset.done $0x0  }
0x80: {  	s13 =	simm.s32 @p0 $0x9;
	[sflag:s18] =	ssyncadd.s32 $0xFFFFFB00  }
0x81: {  	_ =	swait.ge @p0 [sflag:s13], $0x1400  }
0x82: {  	[sflag:s13] =	ssyncset.done @p0 $0x0  }
0x83: {  	[sflag:s13] =	ssyncadd.s32 @p0 $0xFFFFEC00  }
0x84: {  	_ =	swait.ge @p0 [sflag:s11], $0x500  }
0x85: {  	[sflag:s11] =	ssyncset.done @p0 $0x0  }
0x86: {  	s13 =	simm.s32 @!p0 $0x7620;
	[sflag:s11] =	ssyncadd.s32 @p0 $0xFFFFFB00;
	s11 =	sadd.s32 @!p0 $0x230, s12  }
0x87: {  	[tilespmem:s13], [sflag:$0x3] =	stream.indirect.gather @!p0 [hbm4b:s1+s14], $0x40, s11, s14, $0xb8;
	[tilespmem:$0x17A70] =	vst v63  }
0x88: {  	s11 =	simm.s32 @!p0 $0x9  }
0x89: {  	_ =	swait.ge @!p0 [sflag:s11], $0x1400  }
0x8a: {  	[sflag:s11] =	ssyncset.done @!p0 $0x0  }
0x8b: {  	[sflag:s11] =	ssyncadd.s32 @!p0 $0xFFFFEC00  }
0x8c: {  	_ =	swait.ge @!p0 [sflag:s7], $0x500  }
0x8d: {  	[sflag:s7] =	ssyncset.done @!p0 $0x0  }
0x8e: {  	s11 =	simm.s32 @!p0 $0x8A20;
	[sflag:s7] =	ssyncadd.s32 @!p0 $0xFFFFFB00;
	s7 =	sadd.s32 @!p0 $0x280, s12  }
0x8f: {  	[tilespmem:s11], [sflag:$0x4] =	stream.indirect.gather @!p0 [hbm4b:s1+s14], $0x40, s7, s14, $0xb8;
	[tilespmem:$0x17A70] =	vst v63  }
0x90: {  	_ =	swait.ge [sflag:s25], $0x1400  }
.Ltmp2:
0x91: {  	[sflag:s25] =	ssyncset.done $0x0;
	(pc) =	sbr.rel @p0 .LBB2_4-.Ltmp2, $4  }
0x92: {  	[sflag:s25] =	ssyncadd.s32 $0xFFFFEC00  }
0x93: {  	_ =	swait.ge [sflag:s18], $0x500  }
0x94: {  	[sflag:s18] =	ssyncset.done $0x0  }
0x95: {  	[sflag:s18] =	ssyncadd.s32 $0xFFFFFB00  }
.Ltmp3:
0x96: {  	(pc) =	sbr.rel .LBB2_2-.Ltmp3, $3  }
0x97: {  	_ =	sdelay $0x1  }
0x98: {  	s7 =	sadd.s32 $0x2D0, s10;
	s8 =	sadd.s32 $0x640, s8  }
0x99: {  	[tilespmem:s29], [sflag:$0x5] =	stream.indirect.gather [hbm4b:s1+s20], $0x40, s7, s20, $0xb8;
	[tilespmem:$0x17A70] =	vst v63  }
.LBB2_5:
0x9a: {  	_ =	sfence.sel $0x180000  }
0x9b: {  	[bflag:$0x0] =	sbarrier.arrive $0xFFFF  }
0x9c: {  	_ =	strace $0x90000047  }
0x9d: {  	s0 =	stileid.u32;
	[bflag:$0x2] =	sbarrier.arrive $0xFFFF  }
0x9e: {  	p0 =	sne.s32 s0, $0x0;
	s0 =	rddreg [dreg:$0x6]  }
0x9f: {  	s0 =	sadd.s32 @!p0 $0x100000, s0  }
0xa0: {  	[sflag:s0] =	ssyncadd.tile.s32 @!p0 $0x1;
	_ =	shalt  }
.Lfunc_end2:
_tile_overlayer_lowered:
.L_overlay_start_2:
0xa1: {  	(tag) =	ssettag $0x2  }
0xa2: {  	s0 =	rddreg [dreg:$0x0];
	s2 =	stileid.u32  }
0xa3: {  	s1 =	rddreg [dreg:$0x1];
	p0 =	sne.s32 s2, $0x0  }
0xa4: {  	s3 =	rddreg [dreg:$0x2];
	[bflag:$0x3] =	sbarrier.arrive $0xFFFF;
	s2 =	simm.s32 @!p0 $0x1C0C  }
0xa5: {  	[timem:s3], [sflag:s2] =	dma.local @!p0 [hbm:s0], s1  }
0xa6: {  	s0 =	simm.s32 @!p0 $0xC  }
0xa7: {  	_ =	swait.ge @!p0 [sflag:s0], s1  }
0xa8: {  	s1 =	ssub.s32 @!p0 $0x0, s1;
	[sflag:s0] =	ssyncset.done @!p0 $0x0  }
0xa9: {  	[sflag:s0] =	ssyncadd.s32 @!p0 s1  }
0xaa: {  	[bflag:$0x3] =	sbarrier.arrive $0xFFFF  }
0xab: {  	_ =	shalt  }

</sc_bundles>
